<compile_context>
chip_gen: v7x
topology: tpu7x:2x2x1
jax: 0.10.2.dev20260603
libtpu: 0.0.44.dev20260713+nightly
codegen_flags: <defaults>
</compile_context>

<pallas_src>
import functools

import jax
import jax.numpy as jnp
from jax import lax
from jax.experimental import pallas as pl
from jax.experimental.pallas import tpu as pltpu
from jax.experimental.pallas import tpu_sc as plsc

KE_HALF = 0.5 * 14.399645478425668
CUTOFF = 10.0

N_NODES = 100000
N_EDGES = 6400000
LANES = 128
ROWS = N_EDGES // LANES
NCHUNK = 8
CHUNKE = NCHUNK * LANES
NUM_CHUNKS = ROWS // NCHUNK
NTILES = 32
NLOOP = -(-NUM_CHUNKS // NTILES)
NBUF = 4
SLICE = 6272
PADN = 16 * SLICE

_mesh = plsc.VectorSubcoreMesh(core_axis_name="c", subcore_axis_name="s")


@functools.partial(
    pl.kernel,
    out_type=jax.ShapeDtypeStruct((2, 16, SLICE), jnp.float32),
    mesh=_mesh,
    compiler_params=pltpu.CompilerParams(needs_layout_passes=False),
    scratch_types=[
        pltpu.VMEM((N_NODES,), jnp.float32),
        pltpu.VMEM((NBUF, 1, CHUNKE), jnp.int32),
        pltpu.VMEM((NBUF, 1, CHUNKE), jnp.int32),
        pltpu.VMEM((NBUF, 1, CHUNKE), jnp.float32),
        pltpu.VMEM((NBUF, 1, CHUNKE), jnp.float32),
        pltpu.VMEM((SLICE,), jnp.float32),
        pltpu.VMEM_SHARED((PADN,), jnp.float32),
        pltpu.SemaphoreType.DMA,
        pltpu.SemaphoreType.DMA,
    ],
)
def _coulomb_sc(ci_hbm, ni_hbm, ln_hbm, q_hbm, out_hbm,
                q_v, ci_v, ni_v, ln_v, en_v, sl_v, acc_sh, sem_in, sem_out):
    c_id = lax.axis_index("c")
    s_id = lax.axis_index("s")
    wid = c_id * 16 + s_id

    def chunk_of(j):
        return j * NTILES + wid

    def issue_loads(j):
        cix = chunk_of(j)

        @pl.when(cix < NUM_CHUNKS)
        def _():
            b = lax.rem(j, NBUF)
            pltpu.async_copy(ci_hbm.at[cix], ci_v.at[b], sem_in)
            pltpu.async_copy(ni_hbm.at[cix], ni_v.at[b], sem_in)
            pltpu.async_copy(ln_hbm.at[cix], ln_v.at[b], sem_in)

    def wait_loads(j):
        @pl.when(chunk_of(j) < NUM_CHUNKS)
        def _():
            b = lax.rem(j, NBUF)
            pltpu.make_async_copy(ci_hbm.at[0], ci_v.at[b], sem_in).wait()
            pltpu.make_async_copy(ni_hbm.at[0], ni_v.at[b], sem_in).wait()
            pltpu.make_async_copy(ln_hbm.at[0], ln_v.at[b], sem_in).wait()

    def issue_scatter(j):
        @pl.when(chunk_of(j) < NUM_CHUNKS)
        def _():
            b = lax.rem(j, NBUF)
            pltpu.async_copy(en_v.at[b, 0], acc_sh.at[ci_v.at[b, 0]], sem_out, add=True)

    def wait_scatter(j, lo_ok):
        @pl.when(lo_ok & (chunk_of(j) < NUM_CHUNKS))
        def _():
            b = lax.rem(j, NBUF)
            pltpu.make_async_copy(en_v.at[b, 0], acc_sh.at[ci_v.at[b, 0]], sem_out).wait()

    pltpu.sync_copy(q_hbm, q_v)

    def _zero(i, carry):
        sl_v[pl.ds(i * 16, 16)] = jnp.zeros((16,), jnp.float32)
        return carry
    lax.fori_loop(0, SLICE // 16, _zero, 0)
    pltpu.sync_copy(sl_v, acc_sh.at[pl.ds(s_id * SLICE, SLICE)])
    plsc.subcore_barrier()

    issue_loads(jnp.int32(0))
    issue_loads(jnp.int32(1))

    def step(j, carry):
        wait_loads(j)
        wait_scatter(j - 2, j >= 2)
        issue_loads(j + 2)

        @pl.when(chunk_of(j) < NUM_CHUNKS)
        def _():
            b = lax.rem(j, NBUF)

            @plsc.parallel_loop(0, CHUNKE // 16, step=1, unroll=8,
                                carry=jnp.int32(0))
            def _slice(i, rc):
                sl = pl.ds(i * 16, 16)
                q1 = plsc.load_gather(q_v, [ci_v[b, 0, sl]])
                q2 = plsc.load_gather(q_v, [ni_v[b, 0, sl]])
                l = ln_v[b, 0, sl]
                e = jnp.where(l < CUTOFF, q1 * q2 / l,
                              jnp.zeros((16,), jnp.float32))
                en_v[b, 0, sl] = e
                return rc

        issue_scatter(j)
        return carry

    lax.fori_loop(0, NLOOP, step, 0, unroll=False)

    wait_scatter(jnp.int32(NLOOP - 2), jnp.bool_(True))
    wait_scatter(jnp.int32(NLOOP - 1), jnp.bool_(True))

    plsc.subcore_barrier()
    pltpu.sync_copy(acc_sh.at[pl.ds(s_id * SLICE, SLICE)], sl_v)
    pltpu.sync_copy(sl_v, out_hbm.at[c_id, s_id])


def kernel(long_edge_index, long_edge_length, atomic_charges):
    ci = long_edge_index[0].astype(jnp.int32).reshape(NUM_CHUNKS, 1, CHUNKE)
    ni = long_edge_index[1].astype(jnp.int32).reshape(NUM_CHUNKS, 1, CHUNKE)
    ln = long_edge_length.reshape(NUM_CHUNKS, 1, CHUNKE)
    qs = atomic_charges * jnp.float32(KE_HALF ** 0.5)
    out = _coulomb_sc(ci, ni, ln, qs)
    partial = out.reshape(2, PADN)
    return (partial[0] + partial[1])[:N_NODES]

# --- scband reference (transcript-rebuilt; emitter-appended) ---
"""Pipeline reference for scband-coulomb-with-cutoff-85109071937574 (READ-ONLY COPY).

The authoritative reference and input builder live on the scoring server;
editing this copy changes nothing except your own understanding.
"""

import jax, jax.numpy as jnp
import numpy as np

COULOMB_CUTOFF = 10.0
# 1/(4*pi*eps0) converted from J*m/C^2 to eV*Angstrom/e^2 (default units: eV, Ang, elementary charge)
KE = 14.399645478425668

N_NODES = 100000
N_EDGES = 6400000


def _flat_envelope(dist):
    # 'flat' cutoff: envelope is 1 inside the cutoff radius, 0 outside (no smooth decay)
    return (dist < COULOMB_CUTOFF).astype(dist.dtype)


def setup_inputs(seed: int = 0) -> dict:
    key = jax.random.key(seed)
    k1, k2, k3 = jax.random.split(key, 3)
    long_edge_index = jax.random.randint(k1, (2, N_EDGES), 0, N_NODES)
    # realistic interatomic distances, bounded away from zero to keep 1/r finite
    long_edge_length = jax.random.uniform(k2, (N_EDGES,), dtype=jnp.float32, minval=0.5, maxval=12.0)
    atomic_charges = jax.random.normal(k3, (N_NODES,), dtype=jnp.float32)
    return {
        "long_edge_index": long_edge_index,
        "long_edge_length": long_edge_length,
        "atomic_charges": atomic_charges,
    }


def reference(long_edge_index, long_edge_length, atomic_charges):
    center_idx = long_edge_index[0]
    neighbor_idx = long_edge_index[1]
    q1 = jnp.take(atomic_charges, center_idx, axis=0)
    q2 = jnp.take(atomic_charges, neighbor_idx, axis=0)
    envelope = _flat_envelope(long_edge_length)
    pair_energies = 0.5 * envelope * KE * q1 * q2 / long_edge_length
    atomic_energies = jnp.zeros_like(atomic_charges)
    atomic_energies = atomic_energies.at[center_idx].add(pair_energies)
    return atomic_energies

if __name__ == "__main__":
    import jax
    _d = setup_inputs()
    print(jax.jit(kernel)(*tuple(_d.values())))

</pallas_src>

<mosaic_0001>
#map = affine_map<(d0, d1) -> (0, 0, 0)>
#map1 = affine_map<(d0, d1) -> (0)>
module attributes {stable_mosaic.version = 14 : i64} {
  func.func @_coulomb_sc(%arg0: i32, %arg1: i32, %arg2: memref<6250x1x1024xi32, #tpu.memory_space<hbm>>, %arg3: memref<6250x1x1024xi32, #tpu.memory_space<hbm>>, %arg4: memref<6250x1x1024xf32, #tpu.memory_space<hbm>>, %arg5: memref<100000xf32, #tpu.memory_space<hbm>>, %arg6: memref<2x16x6272xf32, #tpu.memory_space<hbm>>, %arg7: memref<100000xf32, #tpu.memory_space<vmem>>, %arg8: memref<4x1x1024xi32, #tpu.memory_space<vmem>>, %arg9: memref<4x1x1024xi32, #tpu.memory_space<vmem>>, %arg10: memref<4x1x1024xf32, #tpu.memory_space<vmem>>, %arg11: memref<4x1x1024xf32, #tpu.memory_space<vmem>>, %arg12: memref<6272xf32, #tpu.memory_space<vmem>>, %arg13: memref<100352xf32, #tpu.memory_space<vmem_shared>>, %arg14: memref<!tpu.dma_semaphore, #tpu.memory_space<semaphore_mem>>, %arg15: memref<!tpu.dma_semaphore, #tpu.memory_space<semaphore_mem>>) attributes {dimension_semantics = [#tpu.dimension_semantics<core_parallel>, #tpu.dimension_semantics<subcore_parallel>], iteration_bounds = array<i64: 2, 16>, scalar_prefetch = 0 : i64, scratch_operands = 9 : i64, tpu.core_type = #tpu.core_type<sc_vector_subcore>, window_params = [{transform_indices = #map}, {transform_indices = #map}, {transform_indices = #map}, {transform_indices = #map1}, {transform_indices = #map}]} {
    %mul3A = arith.constant 16 : i32
    %mul3A_0 = arith.muli %arg0, %mul3A : i32
    %add3A = arith.addi %mul3A_0, %arg1 : i32
    "tpu.region"() ({
      %run_scoped3A = tpu.sem_alloc : memref<!tpu.dma_semaphore, #tpu.memory_space<semaphore_mem>>
      tpu.enqueue_dma source(%arg5 : memref<100000xf32, #tpu.memory_space<hbm>>) target(%arg7 : memref<100000xf32, #tpu.memory_space<vmem>>) target_semaphore(%run_scoped3A : memref<!tpu.dma_semaphore, #tpu.memory_space<semaphore_mem>>)
      tpu.wait_dma2 semaphore(%run_scoped3A : memref<!tpu.dma_semaphore, #tpu.memory_space<semaphore_mem>>) src(%arg5 : memref<100000xf32, #tpu.memory_space<hbm>>) dst(%arg7 : memref<100000xf32, #tpu.memory_space<vmem>>)
      tpu.yield
    }) : () -> ()
    %scan3A = arith.constant 0 : i32
    %scan3A_1 = arith.constant 0 : i32
    %scan3A_2 = arith.constant 392 : i32
    %scan3A_3 = arith.addi %scan3A_1, %scan3A_2 : i32
    %scan3A_4 = arith.constant 1 : i32
    scf.for %scan3A_57 = %scan3A_1 to %scan3A_3 step %scan3A_4  : i32 {
      %broadcast_in_dim3A = arith.constant 0.000000e+00 : f32
      %broadcast_in_dim3A_58 = vector.broadcast %broadcast_in_dim3A : f32 to vector<16xf32>
      %mul3A_59 = arith.constant 16 : i32
      %mul3A_60 = arith.muli %scan3A_57, %mul3A_59 : i32
      %swap3A = arith.index_cast %mul3A_60 : i32 to index
      %swap3A_61 = tpu.vector_load %arg12[%swap3A] {strides = array<i32>} : memref<6272xf32, #tpu.memory_space<vmem>>, vector<16xf32>,
      tpu.vector_store %arg12[%swap3A], %broadcast_in_dim3A_58 {strides = array<i32>} : memref<6272xf32, #tpu.memory_space<vmem>>, vector<16xf32>,
    }
    %scan3A_5 = arith.constant 392 : i32
    %mul3A_6 = arith.constant 6272 : i32
    %mul3A_7 = arith.muli %arg1, %mul3A_6 : i32
    "tpu.region"() ({
      %run_scoped3A = tpu.sem_alloc : memref<!tpu.dma_semaphore, #tpu.memory_space<semaphore_mem>>
      %dma_start3A = tpu.memref_slice %arg13[%mul3A_7] : memref<100352xf32, #tpu.memory_space<vmem_shared>> -> memref<6272xf32, #tpu.memory_space<vmem_shared>>
      %dma_start3A_57 = tpu.memref_slice %arg13[%mul3A_7] : memref<100352xf32, #tpu.memory_space<vmem_shared>> -> memref<6272xf32, #tpu.memory_space<vmem_shared>>
      tpu.enqueue_dma source(%arg12 : memref<6272xf32, #tpu.memory_space<vmem>>) target(%dma_start3A_57 : memref<6272xf32, #tpu.memory_space<vmem_shared>>) target_semaphore(%run_scoped3A : memref<!tpu.dma_semaphore, #tpu.memory_space<semaphore_mem>>)
      %dma_wait3A = tpu.memref_slice %arg13[%mul3A_7] : memref<100352xf32, #tpu.memory_space<vmem_shared>> -> memref<6272xf32, #tpu.memory_space<vmem_shared>>
      %dma_wait3A_58 = tpu.memref_slice %arg13[%mul3A_7] : memref<100352xf32, #tpu.memory_space<vmem_shared>> -> memref<6272xf32, #tpu.memory_space<vmem_shared>>
      tpu.wait_dma2 semaphore(%run_scoped3A : memref<!tpu.dma_semaphore, #tpu.memory_space<semaphore_mem>>) src(%arg12 : memref<6272xf32, #tpu.memory_space<vmem>>) dst(%dma_wait3A_58 : memref<6272xf32, #tpu.memory_space<vmem_shared>>)
      tpu.yield
    }) : () -> ()
    %barrier3A = arith.constant 0 : index
    tpu.barrier barrier_id(%barrier3A)
    %mul3A_8 = arith.constant 0 : i32
    %mul3A_9 = arith.constant 32 : i32
    %mul3A_10 = arith.muli %mul3A_8, %mul3A_9 : i32
    %add3A_11 = arith.addi %mul3A_10, %add3A : i32
    %lt3A = arith.constant 6250 : i32
    %lt3A_12 = arith.cmpi slt, %add3A_11, %lt3A : i32
    %convert_element_type3A = arith.extui %lt3A_12 : i1 to i32
    %cond3A = arith.constant 0 : i32
    %cond3A_13 = arith.constant 0 : i32
    %cond3A_14 = arith.cmpi ne, %convert_element_type3A, %cond3A_13 : i32
    scf.if %cond3A_14 {
      %rem3A = arith.constant 4 : i32
      %rem3A_57 = arith.remsi %cond3A, %rem3A : i32
      %dma_start3A = arith.constant 0 : i32
      %dma_start3A_58 = arith.constant 0 : i32
      %dma_start3A_59 = tpu.memref_slice %arg8[%rem3A_57, %dma_start3A, %dma_start3A_58] : memref<4x1x1024xi32, #tpu.memory_space<vmem>> -> memref<1x1x1024xi32, #tpu.memory_space<vmem>>
      %dma_start3A_60 = tpu.memref_squeeze %dma_start3A_59 : memref<1x1x1024xi32, #tpu.memory_space<vmem>> -> memref<1x1024xi32, #tpu.memory_space<vmem>>
      %dma_start3A_61 = arith.constant 0 : i32
      %dma_start3A_62 = arith.constant 0 : i32
      %dma_start3A_63 = tpu.memref_slice %arg2[%add3A_11, %dma_start3A_61, %dma_start3A_62] : memref<6250x1x1024xi32, #tpu.memory_space<hbm>> -> memref<1x1x1024xi32, #tpu.memory_space<hbm>>
      %dma_start3A_64 = tpu.memref_squeeze %dma_start3A_63 : memref<1x1x1024xi32, #tpu.memory_space<hbm>> -> memref<1x1024xi32, #tpu.memory_space<hbm>>
      %dma_start3A_65 = arith.constant 0 : i32
      %dma_start3A_66 = arith.constant 0 : i32
      %dma_start3A_67 = tpu.memref_slice %arg8[%rem3A_57, %dma_start3A_65, %dma_start3A_66] : memref<4x1x1024xi32, #tpu.memory_space<vmem>> -> memref<1x1x1024xi32, #tpu.memory_space<vmem>>
      %dma_start3A_68 = tpu.memref_squeeze %dma_start3A_67 : memref<1x1x1024xi32, #tpu.memory_space<vmem>> -> memref<1x1024xi32, #tpu.memory_space<vmem>>
      %dma_start3A_69 = arith.constant 0 : i32
      %dma_start3A_70 = arith.constant 0 : i32
      %dma_start3A_71 = tpu.memref_slice %arg2[%add3A_11, %dma_start3A_69, %dma_start3A_70] : memref<6250x1x1024xi32, #tpu.memory_space<hbm>> -> memref<1x1x1024xi32, #tpu.memory_space<hbm>>
      %dma_start3A_72 = tpu.memref_squeeze %dma_start3A_71 : memref<1x1x1024xi32, #tpu.memory_space<hbm>> -> memref<1x1024xi32, #tpu.memory_space<hbm>>
      tpu.enqueue_dma source(%dma_start3A_72 : memref<1x1024xi32, #tpu.memory_space<hbm>>) target(%dma_start3A_68 : memref<1x1024xi32, #tpu.memory_space<vmem>>) target_semaphore(%arg14 : memref<!tpu.dma_semaphore, #tpu.memory_space<semaphore_mem>>)
      %dma_start3A_73 = arith.constant 0 : i32
      %dma_start3A_74 = arith.constant 0 : i32
      %dma_start3A_75 = tpu.memref_slice %arg9[%rem3A_57, %dma_start3A_73, %dma_start3A_74] : memref<4x1x1024xi32, #tpu.memory_space<vmem>> -> memref<1x1x1024xi32, #tpu.memory_space<vmem>>
      %dma_start3A_76 = tpu.memref_squeeze %dma_start3A_75 : memref<1x1x1024xi32, #tpu.memory_space<vmem>> -> memref<1x1024xi32, #tpu.memory_space<vmem>>
      %dma_start3A_77 = arith.constant 0 : i32
      %dma_start3A_78 = arith.constant 0 : i32
      %dma_start3A_79 = tpu.memref_slice %arg3[%add3A_11, %dma_start3A_77, %dma_start3A_78] : memref<6250x1x1024xi32, #tpu.memory_space<hbm>> -> memref<1x1x1024xi32, #tpu.memory_space<hbm>>
      %dma_start3A_80 = tpu.memref_squeeze %dma_start3A_79 : memref<1x1x1024xi32, #tpu.memory_space<hbm>> -> memref<1x1024xi32, #tpu.memory_space<hbm>>
      %dma_start3A_81 = arith.constant 0 : i32
      %dma_start3A_82 = arith.constant 0 : i32
      %dma_start3A_83 = tpu.memref_slice %arg9[%rem3A_57, %dma_start3A_81, %dma_start3A_82] : memref<4x1x1024xi32, #tpu.memory_space<vmem>> -> memref<1x1x1024xi32, #tpu.memory_space<vmem>>
      %dma_start3A_84 = tpu.memref_squeeze %dma_start3A_83 : memref<1x1x1024xi32, #tpu.memory_space<vmem>> -> memref<1x1024xi32, #tpu.memory_space<vmem>>
      %dma_start3A_85 = arith.constant 0 : i32
      %dma_start3A_86 = arith.constant 0 : i32
      %dma_start3A_87 = tpu.memref_slice %arg3[%add3A_11, %dma_start3A_85, %dma_start3A_86] : memref<6250x1x1024xi32, #tpu.memory_space<hbm>> -> memref<1x1x1024xi32, #tpu.memory_space<hbm>>
      %dma_start3A_88 = tpu.memref_squeeze %dma_start3A_87 : memref<1x1x1024xi32, #tpu.memory_space<hbm>> -> memref<1x1024xi32, #tpu.memory_space<hbm>>
      tpu.enqueue_dma source(%dma_start3A_88 : memref<1x1024xi32, #tpu.memory_space<hbm>>) target(%dma_start3A_84 : memref<1x1024xi32, #tpu.memory_space<vmem>>) target_semaphore(%arg14 : memref<!tpu.dma_semaphore, #tpu.memory_space<semaphore_mem>>)
      %dma_start3A_89 = arith.constant 0 : i32
      %dma_start3A_90 = arith.constant 0 : i32
      %dma_start3A_91 = tpu.memref_slice %arg10[%rem3A_57, %dma_start3A_89, %dma_start3A_90] : memref<4x1x1024xf32, #tpu.memory_space<vmem>> -> memref<1x1x1024xf32, #tpu.memory_space<vmem>>
      %dma_start3A_92 = tpu.memref_squeeze %dma_start3A_91 : memref<1x1x1024xf32, #tpu.memory_space<vmem>> -> memref<1x1024xf32, #tpu.memory_space<vmem>>
      %dma_start3A_93 = arith.constant 0 : i32
      %dma_start3A_94 = arith.constant 0 : i32
      %dma_start3A_95 = tpu.memref_slice %arg4[%add3A_11, %dma_start3A_93, %dma_start3A_94] : memref<6250x1x1024xf32, #tpu.memory_space<hbm>> -> memref<1x1x1024xf32, #tpu.memory_space<hbm>>
      %dma_start3A_96 = tpu.memref_squeeze %dma_start3A_95 : memref<1x1x1024xf32, #tpu.memory_space<hbm>> -> memref<1x1024xf32, #tpu.memory_space<hbm>>
      %dma_start3A_97 = arith.constant 0 : i32
      %dma_start3A_98 = arith.constant 0 : i32
      %dma_start3A_99 = tpu.memref_slice %arg10[%rem3A_57, %dma_start3A_97, %dma_start3A_98] : memref<4x1x1024xf32, #tpu.memory_space<vmem>> -> memref<1x1x1024xf32, #tpu.memory_space<vmem>>
      %dma_start3A_100 = tpu.memref_squeeze %dma_start3A_99 : memref<1x1x1024xf32, #tpu.memory_space<vmem>> -> memref<1x1024xf32, #tpu.memory_space<vmem>>
      %dma_start3A_101 = arith.constant 0 : i32
      %dma_start3A_102 = arith.constant 0 : i32
      %dma_start3A_103 = tpu.memref_slice %arg4[%add3A_11, %dma_start3A_101, %dma_start3A_102] : memref<6250x1x1024xf32, #tpu.memory_space<hbm>> -> memref<1x1x1024xf32, #tpu.memory_space<hbm>>
      %dma_start3A_104 = tpu.memref_squeeze %dma_start3A_103 : memref<1x1x1024xf32, #tpu.memory_space<hbm>> -> memref<1x1024xf32, #tpu.memory_space<hbm>>
      tpu.enqueue_dma source(%dma_start3A_104 : memref<1x1024xf32, #tpu.memory_space<hbm>>) target(%dma_start3A_100 : memref<1x1024xf32, #tpu.memory_space<vmem>>) target_semaphore(%arg14 : memref<!tpu.dma_semaphore, #tpu.memory_space<semaphore_mem>>)
    } else {
    }
    %mul3A_15 = arith.constant 1 : i32
    %mul3A_16 = arith.constant 32 : i32
    %mul3A_17 = arith.muli %mul3A_15, %mul3A_16 : i32
    %add3A_18 = arith.addi %mul3A_17, %add3A : i32
    %lt3A_19 = arith.constant 6250 : i32
    %lt3A_20 = arith.cmpi slt, %add3A_18, %lt3A_19 : i32
    %convert_element_type3A_21 = arith.extui %lt3A_20 : i1 to i32
    %cond3A_22 = arith.constant 1 : i32
    %cond3A_23 = arith.constant 0 : i32
    %cond3A_24 = arith.cmpi ne, %convert_element_type3A_21, %cond3A_23 : i32
    scf.if %cond3A_24 {
      %rem3A = arith.constant 4 : i32
      %rem3A_57 = arith.remsi %cond3A_22, %rem3A : i32
      %dma_start3A = arith.constant 0 : i32
      %dma_start3A_58 = arith.constant 0 : i32
      %dma_start3A_59 = tpu.memref_slice %arg8[%rem3A_57, %dma_start3A, %dma_start3A_58] : memref<4x1x1024xi32, #tpu.memory_space<vmem>> -> memref<1x1x1024xi32, #tpu.memory_space<vmem>>
      %dma_start3A_60 = tpu.memref_squeeze %dma_start3A_59 : memref<1x1x1024xi32, #tpu.memory_space<vmem>> -> memref<1x1024xi32, #tpu.memory_space<vmem>>
      %dma_start3A_61 = arith.constant 0 : i32
      %dma_start3A_62 = arith.constant 0 : i32
      %dma_start3A_63 = tpu.memref_slice %arg2[%add3A_18, %dma_start3A_61, %dma_start3A_62] : memref<6250x1x1024xi32, #tpu.memory_space<hbm>> -> memref<1x1x1024xi32, #tpu.memory_space<hbm>>
      %dma_start3A_64 = tpu.memref_squeeze %dma_start3A_63 : memref<1x1x1024xi32, #tpu.memory_space<hbm>> -> memref<1x1024xi32, #tpu.memory_space<hbm>>
      %dma_start3A_65 = arith.constant 0 : i32
      %dma_start3A_66 = arith.constant 0 : i32
      %dma_start3A_67 = tpu.memref_slice %arg8[%rem3A_57, %dma_start3A_65, %dma_start3A_66] : memref<4x1x1024xi32, #tpu.memory_space<vmem>> -> memref<1x1x1024xi32, #tpu.memory_space<vmem>>
      %dma_start3A_68 = tpu.memref_squeeze %dma_start3A_67 : memref<1x1x1024xi32, #tpu.memory_space<vmem>> -> memref<1x1024xi32, #tpu.memory_space<vmem>>
      %dma_start3A_69 = arith.constant 0 : i32
      %dma_start3A_70 = arith.constant 0 : i32
      %dma_start3A_71 = tpu.memref_slice %arg2[%add3A_18, %dma_start3A_69, %dma_start3A_70] : memref<6250x1x1024xi32, #tpu.memory_space<hbm>> -> memref<1x1x1024xi32, #tpu.memory_space<hbm>>
      %dma_start3A_72 = tpu.memref_squeeze %dma_start3A_71 : memref<1x1x1024xi32, #tpu.memory_space<hbm>> -> memref<1x1024xi32, #tpu.memory_space<hbm>>
      tpu.enqueue_dma source(%dma_start3A_72 : memref<1x1024xi32, #tpu.memory_space<hbm>>) target(%dma_start3A_68 : memref<1x1024xi32, #tpu.memory_space<vmem>>) target_semaphore(%arg14 : memref<!tpu.dma_semaphore, #tpu.memory_space<semaphore_mem>>)
      %dma_start3A_73 = arith.constant 0 : i32
      %dma_start3A_74 = arith.constant 0 : i32
      %dma_start3A_75 = tpu.memref_slice %arg9[%rem3A_57, %dma_start3A_73, %dma_start3A_74] : memref<4x1x1024xi32, #tpu.memory_space<vmem>> -> memref<1x1x1024xi32, #tpu.memory_space<vmem>>
      %dma_start3A_76 = tpu.memref_squeeze %dma_start3A_75 : memref<1x1x1024xi32, #tpu.memory_space<vmem>> -> memref<1x1024xi32, #tpu.memory_space<vmem>>
      %dma_start3A_77 = arith.constant 0 : i32
      %dma_start3A_78 = arith.constant 0 : i32
      %dma_start3A_79 = tpu.memref_slice %arg3[%add3A_18, %dma_start3A_77, %dma_start3A_78] : memref<6250x1x1024xi32, #tpu.memory_space<hbm>> -> memref<1x1x1024xi32, #tpu.memory_space<hbm>>
      %dma_start3A_80 = tpu.memref_squeeze %dma_start3A_79 : memref<1x1x1024xi32, #tpu.memory_space<hbm>> -> memref<1x1024xi32, #tpu.memory_space<hbm>>
      %dma_start3A_81 = arith.constant 0 : i32
      %dma_start3A_82 = arith.constant 0 : i32
      %dma_start3A_83 = tpu.memref_slice %arg9[%rem3A_57, %dma_start3A_81, %dma_start3A_82] : memref<4x1x1024xi32, #tpu.memory_space<vmem>> -> memref<1x1x1024xi32, #tpu.memory_space<vmem>>
      %dma_start3A_84 = tpu.memref_squeeze %dma_start3A_83 : memref<1x1x1024xi32, #tpu.memory_space<vmem>> -> memref<1x1024xi32, #tpu.memory_space<vmem>>
      %dma_start3A_85 = arith.constant 0 : i32
      %dma_start3A_86 = arith.constant 0 : i32
      %dma_start3A_87 = tpu.memref_slice %arg3[%add3A_18, %dma_start3A_85, %dma_start3A_86] : memref<6250x1x1024xi32, #tpu.memory_space<hbm>> -> memref<1x1x1024xi32, #tpu.memory_space<hbm>>
      %dma_start3A_88 = tpu.memref_squeeze %dma_start3A_87 : memref<1x1x1024xi32, #tpu.memory_space<hbm>> -> memref<1x1024xi32, #tpu.memory_space<hbm>>
      tpu.enqueue_dma source(%dma_start3A_88 : memref<1x1024xi32, #tpu.memory_space<hbm>>) target(%dma_start3A_84 : memref<1x1024xi32, #tpu.memory_space<vmem>>) target_semaphore(%arg14 : memref<!tpu.dma_semaphore, #tpu.memory_space<semaphore_mem>>)
      %dma_start3A_89 = arith.constant 0 : i32
      %dma_start3A_90 = arith.constant 0 : i32
      %dma_start3A_91 = tpu.memref_slice %arg10[%rem3A_57, %dma_start3A_89, %dma_start3A_90] : memref<4x1x1024xf32, #tpu.memory_space<vmem>> -> memref<1x1x1024xf32, #tpu.memory_space<vmem>>
      %dma_start3A_92 = tpu.memref_squeeze %dma_start3A_91 : memref<1x1x1024xf32, #tpu.memory_space<vmem>> -> memref<1x1024xf32, #tpu.memory_space<vmem>>
      %dma_start3A_93 = arith.constant 0 : i32
      %dma_start3A_94 = arith.constant 0 : i32
      %dma_start3A_95 = tpu.memref_slice %arg4[%add3A_18, %dma_start3A_93, %dma_start3A_94] : memref<6250x1x1024xf32, #tpu.memory_space<hbm>> -> memref<1x1x1024xf32, #tpu.memory_space<hbm>>
      %dma_start3A_96 = tpu.memref_squeeze %dma_start3A_95 : memref<1x1x1024xf32, #tpu.memory_space<hbm>> -> memref<1x1024xf32, #tpu.memory_space<hbm>>
      %dma_start3A_97 = arith.constant 0 : i32
      %dma_start3A_98 = arith.constant 0 : i32
      %dma_start3A_99 = tpu.memref_slice %arg10[%rem3A_57, %dma_start3A_97, %dma_start3A_98] : memref<4x1x1024xf32, #tpu.memory_space<vmem>> -> memref<1x1x1024xf32, #tpu.memory_space<vmem>>
      %dma_start3A_100 = tpu.memref_squeeze %dma_start3A_99 : memref<1x1x1024xf32, #tpu.memory_space<vmem>> -> memref<1x1024xf32, #tpu.memory_space<vmem>>
      %dma_start3A_101 = arith.constant 0 : i32
      %dma_start3A_102 = arith.constant 0 : i32
      %dma_start3A_103 = tpu.memref_slice %arg4[%add3A_18, %dma_start3A_101, %dma_start3A_102] : memref<6250x1x1024xf32, #tpu.memory_space<hbm>> -> memref<1x1x1024xf32, #tpu.memory_space<hbm>>
      %dma_start3A_104 = tpu.memref_squeeze %dma_start3A_103 : memref<1x1x1024xf32, #tpu.memory_space<hbm>> -> memref<1x1024xf32, #tpu.memory_space<hbm>>
      tpu.enqueue_dma source(%dma_start3A_104 : memref<1x1024xf32, #tpu.memory_space<hbm>>) target(%dma_start3A_100 : memref<1x1024xf32, #tpu.memory_space<vmem>>) target_semaphore(%arg14 : memref<!tpu.dma_semaphore, #tpu.memory_space<semaphore_mem>>)
    } else {
    }
    %scan3A_25 = arith.constant 0 : i32
    %scan3A_26 = arith.constant 0 : i32
    %scan3A_27 = arith.constant 196 : i32
    %scan3A_28 = arith.addi %scan3A_26, %scan3A_27 : i32
    %scan3A_29 = arith.constant 1 : i32
    scf.for %scan3A_57 = %scan3A_26 to %scan3A_28 step %scan3A_29  : i32 {
      %mul3A_58 = arith.constant 32 : i32
      %mul3A_59 = arith.muli %scan3A_57, %mul3A_58 : i32
      %add3A_60 = arith.addi %mul3A_59, %add3A : i32
      %lt3A_61 = arith.constant 6250 : i32
      %lt3A_62 = arith.cmpi slt, %add3A_60, %lt3A_61 : i32
      %convert_element_type3A_63 = arith.extui %lt3A_62 : i1 to i32
      %cond3A_64 = arith.constant 0 : i32
      %cond3A_65 = arith.cmpi ne, %convert_element_type3A_63, %cond3A_64 : i32
      scf.if %cond3A_65 {
        %rem3A = arith.constant 4 : i32
        %rem3A_103 = arith.remsi %scan3A_57, %rem3A : i32
        %dma_wait3A = arith.constant 0 : i32
        %dma_wait3A_104 = arith.constant 0 : i32
        %dma_wait3A_105 = arith.constant 0 : i32
        %dma_wait3A_106 = tpu.memref_slice %arg8[%rem3A_103, %dma_wait3A_104, %dma_wait3A_105] : memref<4x1x1024xi32, #tpu.memory_space<vmem>> -> memref<1x1x1024xi32, #tpu.memory_space<vmem>>
        %dma_wait3A_107 = tpu.memref_squeeze %dma_wait3A_106 : memref<1x1x1024xi32, #tpu.memory_space<vmem>> -> memref<1x1024xi32, #tpu.memory_space<vmem>>
        %dma_wait3A_108 = arith.constant 0 : i32
        %dma_wait3A_109 = arith.constant 0 : i32
        %dma_wait3A_110 = tpu.memref_slice %arg2[%dma_wait3A, %dma_wait3A_108, %dma_wait3A_109] : memref<6250x1x1024xi32, #tpu.memory_space<hbm>> -> memref<1x1x1024xi32, #tpu.memory_space<hbm>>
        %dma_wait3A_111 = tpu.memref_squeeze %dma_wait3A_110 : memref<1x1x1024xi32, #tpu.memory_space<hbm>> -> memref<1x1024xi32, #tpu.memory_space<hbm>>
        %dma_wait3A_112 = arith.constant 0 : i32
        %dma_wait3A_113 = arith.constant 0 : i32
        %dma_wait3A_114 = tpu.memref_slice %arg8[%rem3A_103, %dma_wait3A_112, %dma_wait3A_113] : memref<4x1x1024xi32, #tpu.memory_space<vmem>> -> memref<1x1x1024xi32, #tpu.memory_space<vmem>>
        %dma_wait3A_115 = tpu.memref_squeeze %dma_wait3A_114 : memref<1x1x1024xi32, #tpu.memory_space<vmem>> -> memref<1x1024xi32, #tpu.memory_space<vmem>>
        %dma_wait3A_116 = arith.constant 0 : i32
        %dma_wait3A_117 = arith.constant 0 : i32
        %dma_wait3A_118 = tpu.memref_slice %arg2[%dma_wait3A, %dma_wait3A_116, %dma_wait3A_117] : memref<6250x1x1024xi32, #tpu.memory_space<hbm>> -> memref<1x1x1024xi32, #tpu.memory_space<hbm>>
        %dma_wait3A_119 = tpu.memref_squeeze %dma_wait3A_118 : memref<1x1x1024xi32, #tpu.memory_space<hbm>> -> memref<1x1024xi32, #tpu.memory_space<hbm>>
        tpu.wait_dma2 semaphore(%arg14 : memref<!tpu.dma_semaphore, #tpu.memory_space<semaphore_mem>>) src(%dma_wait3A_119 : memref<1x1024xi32, #tpu.memory_space<hbm>>) dst(%dma_wait3A_115 : memref<1x1024xi32, #tpu.memory_space<vmem>>)
        %dma_wait3A_120 = arith.constant 0 : i32
        %dma_wait3A_121 = arith.constant 0 : i32
        %dma_wait3A_122 = arith.constant 0 : i32
        %dma_wait3A_123 = tpu.memref_slice %arg9[%rem3A_103, %dma_wait3A_121, %dma_wait3A_122] : memref<4x1x1024xi32, #tpu.memory_space<vmem>> -> memref<1x1x1024xi32, #tpu.memory_space<vmem>>
        %dma_wait3A_124 = tpu.memref_squeeze %dma_wait3A_123 : memref<1x1x1024xi32, #tpu.memory_space<vmem>> -> memref<1x1024xi32, #tpu.memory_space<vmem>>
        %dma_wait3A_125 = arith.constant 0 : i32
        %dma_wait3A_126 = arith.constant 0 : i32
        %dma_wait3A_127 = tpu.memref_slice %arg3[%dma_wait3A_120, %dma_wait3A_125, %dma_wait3A_126] : memref<6250x1x1024xi32, #tpu.memory_space<hbm>> -> memref<1x1x1024xi32, #tpu.memory_space<hbm>>
        %dma_wait3A_128 = tpu.memref_squeeze %dma_wait3A_127 : memref<1x1x1024xi32, #tpu.memory_space<hbm>> -> memref<1x1024xi32, #tpu.memory_space<hbm>>
        %dma_wait3A_129 = arith.constant 0 : i32
        %dma_wait3A_130 = arith.constant 0 : i32
        %dma_wait3A_131 = tpu.memref_slice %arg9[%rem3A_103, %dma_wait3A_129, %dma_wait3A_130] : memref<4x1x1024xi32, #tpu.memory_space<vmem>> -> memref<1x1x1024xi32, #tpu.memory_space<vmem>>
        %dma_wait3A_132 = tpu.memref_squeeze %dma_wait3A_131 : memref<1x1x1024xi32, #tpu.memory_space<vmem>> -> memref<1x1024xi32, #tpu.memory_space<vmem>>
        %dma_wait3A_133 = arith.constant 0 : i32
        %dma_wait3A_134 = arith.constant 0 : i32
        %dma_wait3A_135 = tpu.memref_slice %arg3[%dma_wait3A_120, %dma_wait3A_133, %dma_wait3A_134] : memref<6250x1x1024xi32, #tpu.memory_space<hbm>> -> memref<1x1x1024xi32, #tpu.memory_space<hbm>>
        %dma_wait3A_136 = tpu.memref_squeeze %dma_wait3A_135 : memref<1x1x1024xi32, #tpu.memory_space<hbm>> -> memref<1x1024xi32, #tpu.memory_space<hbm>>
        tpu.wait_dma2 semaphore(%arg14 : memref<!tpu.dma_semaphore, #tpu.memory_space<semaphore_mem>>) src(%dma_wait3A_136 : memref<1x1024xi32, #tpu.memory_space<hbm>>) dst(%dma_wait3A_132 : memref<1x1024xi32, #tpu.memory_space<vmem>>)
        %dma_wait3A_137 = arith.constant 0 : i32
        %dma_wait3A_138 = arith.constant 0 : i32
        %dma_wait3A_139 = arith.constant 0 : i32
        %dma_wait3A_140 = tpu.memref_slice %arg10[%rem3A_103, %dma_wait3A_138, %dma_wait3A_139] : memref<4x1x1024xf32, #tpu.memory_space<vmem>> -> memref<1x1x1024xf32, #tpu.memory_space<vmem>>
        %dma_wait3A_141 = tpu.memref_squeeze %dma_wait3A_140 : memref<1x1x1024xf32, #tpu.memory_space<vmem>> -> memref<1x1024xf32, #tpu.memory_space<vmem>>
        %dma_wait3A_142 = arith.constant 0 : i32
        %dma_wait3A_143 = arith.constant 0 : i32
        %dma_wait3A_144 = tpu.memref_slice %arg4[%dma_wait3A_137, %dma_wait3A_142, %dma_wait3A_143] : memref<6250x1x1024xf32, #tpu.memory_space<hbm>> -> memref<1x1x1024xf32, #tpu.memory_space<hbm>>
        %dma_wait3A_145 = tpu.memref_squeeze %dma_wait3A_144 : memref<1x1x1024xf32, #tpu.memory_space<hbm>> -> memref<1x1024xf32, #tpu.memory_space<hbm>>
        %dma_wait3A_146 = arith.constant 0 : i32
        %dma_wait3A_147 = arith.constant 0 : i32
        %dma_wait3A_148 = tpu.memref_slice %arg10[%rem3A_103, %dma_wait3A_146, %dma_wait3A_147] : memref<4x1x1024xf32, #tpu.memory_space<vmem>> -> memref<1x1x1024xf32, #tpu.memory_space<vmem>>
        %dma_wait3A_149 = tpu.memref_squeeze %dma_wait3A_148 : memref<1x1x1024xf32, #tpu.memory_space<vmem>> -> memref<1x1024xf32, #tpu.memory_space<vmem>>
        %dma_wait3A_150 = arith.constant 0 : i32
        %dma_wait3A_151 = arith.constant 0 : i32
        %dma_wait3A_152 = tpu.memref_slice %arg4[%dma_wait3A_137, %dma_wait3A_150, %dma_wait3A_151] : memref<6250x1x1024xf32, #tpu.memory_space<hbm>> -> memref<1x1x1024xf32, #tpu.memory_space<hbm>>
        %dma_wait3A_153 = tpu.memref_squeeze %dma_wait3A_152 : memref<1x1x1024xf32, #tpu.memory_space<hbm>> -> memref<1x1024xf32, #tpu.memory_space<hbm>>
        tpu.wait_dma2 semaphore(%arg14 : memref<!tpu.dma_semaphore, #tpu.memory_space<semaphore_mem>>) src(%dma_wait3A_153 : memref<1x1024xf32, #tpu.memory_space<hbm>>) dst(%dma_wait3A_149 : memref<1x1024xf32, #tpu.memory_space<vmem>>)
      } else {
      }
      %sub3A = arith.constant 2 : i32
      %sub3A_66 = arith.subi %scan3A_57, %sub3A : i32
      %ge3A = arith.constant 2 : i32
      %ge3A_67 = arith.cmpi sge, %scan3A_57, %ge3A : i32
      %mul3A_68 = arith.constant 32 : i32
      %mul3A_69 = arith.muli %sub3A_66, %mul3A_68 : i32
      %add3A_70 = arith.addi %mul3A_69, %add3A : i32
      %lt3A_71 = arith.constant 6250 : i32
      %lt3A_72 = arith.cmpi slt, %add3A_70, %lt3A_71 : i32
      %and3A_73 = arith.andi %ge3A_67, %lt3A_72 : i1
      %convert_element_type3A_74 = arith.extui %and3A_73 : i1 to i32
      %cond3A_75 = arith.constant 0 : i32
      %cond3A_76 = arith.cmpi ne, %convert_element_type3A_74, %cond3A_75 : i32
      scf.if %cond3A_76 {
        %rem3A = arith.constant 4 : i32
        %rem3A_103 = arith.remsi %sub3A_66, %rem3A : i32
        %dma_wait3A = arith.constant 0 : i32
        %dma_wait3A_104 = arith.constant 0 : i32
        %dma_wait3A_105 = arith.constant 0 : i32
        %dma_wait3A_106 = tpu.memref_slice %arg11[%rem3A_103, %dma_wait3A, %dma_wait3A_105] : memref<4x1x1024xf32, #tpu.memory_space<vmem>> -> memref<1x1x1024xf32, #tpu.memory_space<vmem>>
        %dma_wait3A_107 = tpu.memref_squeeze %dma_wait3A_106 : memref<1x1x1024xf32, #tpu.memory_space<vmem>> -> memref<1024xf32, #tpu.memory_space<vmem>>
        %dma_wait3A_108 = arith.constant 0 : i32
        %dma_wait3A_109 = tpu.memref_slice %arg8[%rem3A_103, %dma_wait3A_104, %dma_wait3A_108] : memref<4x1x1024xi32, #tpu.memory_space<vmem>> -> memref<1x1x1024xi32, #tpu.memory_space<vmem>>
        %dma_wait3A_110 = tpu.memref_squeeze %dma_wait3A_109 : memref<1x1x1024xi32, #tpu.memory_space<vmem>> -> memref<1024xi32, #tpu.memory_space<vmem>>
        %dma_wait3A_111 = arith.constant 0 : i32
        %dma_wait3A_112 = tpu.memref_slice %arg13[%dma_wait3A_111] : memref<100352xf32, #tpu.memory_space<vmem_shared>> -> memref<100352xf32, #tpu.memory_space<vmem_shared>>
        tpu.wait_indirect_dma semaphore(%arg15 : memref<!tpu.dma_semaphore, #tpu.memory_space<semaphore_mem>>) src(%dma_wait3A_107 : memref<1024xf32, #tpu.memory_space<vmem>>) dst(%dma_wait3A_112 : memref<100352xf32, #tpu.memory_space<vmem_shared>>)
      } else {
      }
      %add3A_77 = arith.constant 2 : i32
      %add3A_78 = arith.addi %scan3A_57, %add3A_77 : i32
      %mul3A_79 = arith.constant 32 : i32
      %mul3A_80 = arith.muli %add3A_78, %mul3A_79 : i32
      %add3A_81 = arith.addi %mul3A_80, %add3A : i32
      %lt3A_82 = arith.constant 6250 : i32
      %lt3A_83 = arith.cmpi slt, %add3A_81, %lt3A_82 : i32
      %convert_element_type3A_84 = arith.extui %lt3A_83 : i1 to i32
      %cond3A_85 = arith.constant 0 : i32
      %cond3A_86 = arith.cmpi ne, %convert_element_type3A_84, %cond3A_85 : i32
      scf.if %cond3A_86 {
        %rem3A = arith.constant 4 : i32
        %rem3A_103 = arith.remsi %add3A_78, %rem3A : i32
        %dma_start3A = arith.constant 0 : i32
        %dma_start3A_104 = arith.constant 0 : i32
        %dma_start3A_105 = tpu.memref_slice %arg8[%rem3A_103, %dma_start3A, %dma_start3A_104] : memref<4x1x1024xi32, #tpu.memory_space<vmem>> -> memref<1x1x1024xi32, #tpu.memory_space<vmem>>
        %dma_start3A_106 = tpu.memref_squeeze %dma_start3A_105 : memref<1x1x1024xi32, #tpu.memory_space<vmem>> -> memref<1x1024xi32, #tpu.memory_space<vmem>>
        %dma_start3A_107 = arith.constant 0 : i32
        %dma_start3A_108 = arith.constant 0 : i32
        %dma_start3A_109 = tpu.memref_slice %arg2[%add3A_81, %dma_start3A_107, %dma_start3A_108] : memref<6250x1x1024xi32, #tpu.memory_space<hbm>> -> memref<1x1x1024xi32, #tpu.memory_space<hbm>>
        %dma_start3A_110 = tpu.memref_squeeze %dma_start3A_109 : memref<1x1x1024xi32, #tpu.memory_space<hbm>> -> memref<1x1024xi32, #tpu.memory_space<hbm>>
        %dma_start3A_111 = arith.constant 0 : i32
        %dma_start3A_112 = arith.constant 0 : i32
        %dma_start3A_113 = tpu.memref_slice %arg8[%rem3A_103, %dma_start3A_111, %dma_start3A_112] : memref<4x1x1024xi32, #tpu.memory_space<vmem>> -> memref<1x1x1024xi32, #tpu.memory_space<vmem>>
        %dma_start3A_114 = tpu.memref_squeeze %dma_start3A_113 : memref<1x1x1024xi32, #tpu.memory_space<vmem>> -> memref<1x1024xi32, #tpu.memory_space<vmem>>
        %dma_start3A_115 = arith.constant 0 : i32
        %dma_start3A_116 = arith.constant 0 : i32
        %dma_start3A_117 = tpu.memref_slice %arg2[%add3A_81, %dma_start3A_115, %dma_start3A_116] : memref<6250x1x1024xi32, #tpu.memory_space<hbm>> -> memref<1x1x1024xi32, #tpu.memory_space<hbm>>
        %dma_start3A_118 = tpu.memref_squeeze %dma_start3A_117 : memref<1x1x1024xi32, #tpu.memory_space<hbm>> -> memref<1x1024xi32, #tpu.memory_space<hbm>>
        tpu.enqueue_dma source(%dma_start3A_118 : memref<1x1024xi32, #tpu.memory_space<hbm>>) target(%dma_start3A_114 : memref<1x1024xi32, #tpu.memory_space<vmem>>) target_semaphore(%arg14 : memref<!tpu.dma_semaphore, #tpu.memory_space<semaphore_mem>>)
        %dma_start3A_119 = arith.constant 0 : i32
        %dma_start3A_120 = arith.constant 0 : i32
        %dma_start3A_121 = tpu.memref_slice %arg9[%rem3A_103, %dma_start3A_119, %dma_start3A_120] : memref<4x1x1024xi32, #tpu.memory_space<vmem>> -> memref<1x1x1024xi32, #tpu.memory_space<vmem>>
        %dma_start3A_122 = tpu.memref_squeeze %dma_start3A_121 : memref<1x1x1024xi32, #tpu.memory_space<vmem>> -> memref<1x1024xi32, #tpu.memory_space<vmem>>
        %dma_start3A_123 = arith.constant 0 : i32
        %dma_start3A_124 = arith.constant 0 : i32
        %dma_start3A_125 = tpu.memref_slice %arg3[%add3A_81, %dma_start3A_123, %dma_start3A_124] : memref<6250x1x1024xi32, #tpu.memory_space<hbm>> -> memref<1x1x1024xi32, #tpu.memory_space<hbm>>
        %dma_start3A_126 = tpu.memref_squeeze %dma_start3A_125 : memref<1x1x1024xi32, #tpu.memory_space<hbm>> -> memref<1x1024xi32, #tpu.memory_space<hbm>>
        %dma_start3A_127 = arith.constant 0 : i32
        %dma_start3A_128 = arith.constant 0 : i32
        %dma_start3A_129 = tpu.memref_slice %arg9[%rem3A_103, %dma_start3A_127, %dma_start3A_128] : memref<4x1x1024xi32, #tpu.memory_space<vmem>> -> memref<1x1x1024xi32, #tpu.memory_space<vmem>>
        %dma_start3A_130 = tpu.memref_squeeze %dma_start3A_129 : memref<1x1x1024xi32, #tpu.memory_space<vmem>> -> memref<1x1024xi32, #tpu.memory_space<vmem>>
        %dma_start3A_131 = arith.constant 0 : i32
        %dma_start3A_132 = arith.constant 0 : i32
        %dma_start3A_133 = tpu.memref_slice %arg3[%add3A_81, %dma_start3A_131, %dma_start3A_132] : memref<6250x1x1024xi32, #tpu.memory_space<hbm>> -> memref<1x1x1024xi32, #tpu.memory_space<hbm>>
        %dma_start3A_134 = tpu.memref_squeeze %dma_start3A_133 : memref<1x1x1024xi32, #tpu.memory_space<hbm>> -> memref<1x1024xi32, #tpu.memory_space<hbm>>
        tpu.enqueue_dma source(%dma_start3A_134 : memref<1x1024xi32, #tpu.memory_space<hbm>>) target(%dma_start3A_130 : memref<1x1024xi32, #tpu.memory_space<vmem>>) target_semaphore(%arg14 : memref<!tpu.dma_semaphore, #tpu.memory_space<semaphore_mem>>)
        %dma_start3A_135 = arith.constant 0 : i32
        %dma_start3A_136 = arith.constant 0 : i32
        %dma_start3A_137 = tpu.memref_slice %arg10[%rem3A_103, %dma_start3A_135, %dma_start3A_136] : memref<4x1x1024xf32, #tpu.memory_space<vmem>> -> memref<1x1x1024xf32, #tpu.memory_space<vmem>>
        %dma_start3A_138 = tpu.memref_squeeze %dma_start3A_137 : memref<1x1x1024xf32, #tpu.memory_space<vmem>> -> memref<1x1024xf32, #tpu.memory_space<vmem>>
        %dma_start3A_139 = arith.constant 0 : i32
        %dma_start3A_140 = arith.constant 0 : i32
        %dma_start3A_141 = tpu.memref_slice %arg4[%add3A_81, %dma_start3A_139, %dma_start3A_140] : memref<6250x1x1024xf32, #tpu.memory_space<hbm>> -> memref<1x1x1024xf32, #tpu.memory_space<hbm>>
        %dma_start3A_142 = tpu.memref_squeeze %dma_start3A_141 : memref<1x1x1024xf32, #tpu.memory_space<hbm>> -> memref<1x1024xf32, #tpu.memory_space<hbm>>
        %dma_start3A_143 = arith.constant 0 : i32
        %dma_start3A_144 = arith.constant 0 : i32
        %dma_start3A_145 = tpu.memref_slice %arg10[%rem3A_103, %dma_start3A_143, %dma_start3A_144] : memref<4x1x1024xf32, #tpu.memory_space<vmem>> -> memref<1x1x1024xf32, #tpu.memory_space<vmem>>
        %dma_start3A_146 = tpu.memref_squeeze %dma_start3A_145 : memref<1x1x1024xf32, #tpu.memory_space<vmem>> -> memref<1x1024xf32, #tpu.memory_space<vmem>>
        %dma_start3A_147 = arith.constant 0 : i32
        %dma_start3A_148 = arith.constant 0 : i32
        %dma_start3A_149 = tpu.memref_slice %arg4[%add3A_81, %dma_start3A_147, %dma_start3A_148] : memref<6250x1x1024xf32, #tpu.memory_space<hbm>> -> memref<1x1x1024xf32, #tpu.memory_space<hbm>>
        %dma_start3A_150 = tpu.memref_squeeze %dma_start3A_149 : memref<1x1x1024xf32, #tpu.memory_space<hbm>> -> memref<1x1024xf32, #tpu.memory_space<hbm>>
        tpu.enqueue_dma source(%dma_start3A_150 : memref<1x1024xf32, #tpu.memory_space<hbm>>) target(%dma_start3A_146 : memref<1x1024xf32, #tpu.memory_space<vmem>>) target_semaphore(%arg14 : memref<!tpu.dma_semaphore, #tpu.memory_space<semaphore_mem>>)
      } else {
      }
      %mul3A_87 = arith.constant 32 : i32
      %mul3A_88 = arith.muli %scan3A_57, %mul3A_87 : i32
      %add3A_89 = arith.addi %mul3A_88, %add3A : i32
      %lt3A_90 = arith.constant 6250 : i32
      %lt3A_91 = arith.cmpi slt, %add3A_89, %lt3A_90 : i32
      %convert_element_type3A_92 = arith.extui %lt3A_91 : i1 to i32
      %cond3A_93 = arith.constant 0 : i32
      %cond3A_94 = arith.cmpi ne, %convert_element_type3A_92, %cond3A_93 : i32
      scf.if %cond3A_94 {
        %rem3A = arith.constant 4 : i32
        %rem3A_103 = arith.remsi %scan3A_57, %rem3A : i32
        %parallel_loop3A = arith.constant 0 : i32
        %parallel_loop3A_104 = arith.constant 64 : i32
        %parallel_loop3A_105 = arith.constant 1 : i32
        %parallel_loop3A_106 = arith.constant 0 : i32
        %parallel_loop3A_107 = scf.for %parallel_loop3A_108 = %parallel_loop3A to %parallel_loop3A_104 step %parallel_loop3A_105 iter_args(%parallel_loop3A_109 = %parallel_loop3A_106) -> (i32)  : i32 {
          %parallel_loop3A_110 = arith.constant 16 : i32
          %parallel_loop3A_111 = arith.muli %parallel_loop3A_108, %parallel_loop3A_110 : i32
          %parallel_loop3A_112 = arith.constant 0 : i32
          %parallel_loop3A_113 = arith.index_cast %rem3A_103 : i32 to index
          %parallel_loop3A_114 = arith.index_cast %parallel_loop3A_112 : i32 to index
          %parallel_loop3A_115 = arith.index_cast %parallel_loop3A_111 : i32 to index
          %parallel_loop3A_116 = tpu.vector_load %arg8[%parallel_loop3A_113, %parallel_loop3A_114, %parallel_loop3A_115] {strides = array<i32>} : memref<4x1x1024xi32, #tpu.memory_space<vmem>>, vector<16xi32>,
          %parallel_loop3A_117 = tpu.vector_load_idx %arg7[%parallel_loop3A_116] : memref<100000xf32, #tpu.memory_space<vmem>>[vector<16xi32>], vector<16xf32>,
          %parallel_loop3A_118 = arith.constant 0 : i32
          %parallel_loop3A_119 = arith.index_cast %rem3A_103 : i32 to index
          %parallel_loop3A_120 = arith.index_cast %parallel_loop3A_118 : i32 to index
          %parallel_loop3A_121 = arith.index_cast %parallel_loop3A_111 : i32 to index
          %parallel_loop3A_122 = tpu.vector_load %arg9[%parallel_loop3A_119, %parallel_loop3A_120, %parallel_loop3A_121] {strides = array<i32>} : memref<4x1x1024xi32, #tpu.memory_space<vmem>>, vector<16xi32>,
          %parallel_loop3A_123 = tpu.vector_load_idx %arg7[%parallel_loop3A_122] : memref<100000xf32, #tpu.memory_space<vmem>>[vector<16xi32>], vector<16xf32>,
          %parallel_loop3A_124 = arith.constant 0 : i32
          %parallel_loop3A_125 = arith.index_cast %rem3A_103 : i32 to index
          %parallel_loop3A_126 = arith.index_cast %parallel_loop3A_124 : i32 to index
          %parallel_loop3A_127 = arith.index_cast %parallel_loop3A_111 : i32 to index
          %parallel_loop3A_128 = tpu.vector_load %arg10[%parallel_loop3A_125, %parallel_loop3A_126, %parallel_loop3A_127] {strides = array<i32>} : memref<4x1x1024xf32, #tpu.memory_space<vmem>>, vector<16xf32>,
          %parallel_loop3A_129 = arith.constant 1.000000e+01 : f32
          %parallel_loop3A_130 = vector.broadcast %parallel_loop3A_129 : f32 to vector<16xf32>
          %parallel_loop3A_131 = arith.cmpf olt, %parallel_loop3A_128, %parallel_loop3A_130 : vector<16xf32>
          %parallel_loop3A_132 = arith.mulf %parallel_loop3A_117, %parallel_loop3A_123 : vector<16xf32>
          %parallel_loop3A_133 = arith.divf %parallel_loop3A_132, %parallel_loop3A_128 : vector<16xf32>
          %parallel_loop3A_134 = arith.constant 0.000000e+00 : f32
          %parallel_loop3A_135 = vector.broadcast %parallel_loop3A_134 : f32 to vector<16xf32>
          %parallel_loop3A_136 = arith.select %parallel_loop3A_131, %parallel_loop3A_133, %parallel_loop3A_135 : vector<16xi1>, vector<16xf32>
          %parallel_loop3A_137 = arith.constant 0 : i32
          %parallel_loop3A_138 = arith.index_cast %rem3A_103 : i32 to index
          %parallel_loop3A_139 = arith.index_cast %parallel_loop3A_137 : i32 to index
          %parallel_loop3A_140 = arith.index_cast %parallel_loop3A_111 : i32 to index
          %parallel_loop3A_141 = tpu.vector_load %arg11[%parallel_loop3A_138, %parallel_loop3A_139, %parallel_loop3A_140] {strides = array<i32>} : memref<4x1x1024xf32, #tpu.memory_space<vmem>>, vector<16xf32>,
          tpu.vector_store %arg11[%parallel_loop3A_138, %parallel_loop3A_139, %parallel_loop3A_140], %parallel_loop3A_136 {strides = array<i32>} : memref<4x1x1024xf32, #tpu.memory_space<vmem>>, vector<16xf32>,
          scf.yield %parallel_loop3A_109 : i32
        } {sc.loop_unroll_factor = 8 : i64, sc.parallel_access}
      } else {
      }
      %mul3A_95 = arith.constant 32 : i32
      %mul3A_96 = arith.muli %scan3A_57, %mul3A_95 : i32
      %add3A_97 = arith.addi %mul3A_96, %add3A : i32
      %lt3A_98 = arith.constant 6250 : i32
      %lt3A_99 = arith.cmpi slt, %add3A_97, %lt3A_98 : i32
      %convert_element_type3A_100 = arith.extui %lt3A_99 : i1 to i32
      %cond3A_101 = arith.constant 0 : i32
      %cond3A_102 = arith.cmpi ne, %convert_element_type3A_100, %cond3A_101 : i32
      scf.if %cond3A_102 {
        %rem3A = arith.constant 4 : i32
        %rem3A_103 = arith.remsi %scan3A_57, %rem3A : i32
        %dma_start3A = arith.constant 0 : i32
        %dma_start3A_104 = arith.constant 0 : i32
        %dma_start3A_105 = arith.constant 0 : i32
        %dma_start3A_106 = tpu.memref_slice %arg11[%rem3A_103, %dma_start3A, %dma_start3A_105] : memref<4x1x1024xf32, #tpu.memory_space<vmem>> -> memref<1x1x1024xf32, #tpu.memory_space<vmem>>
        %dma_start3A_107 = tpu.memref_squeeze %dma_start3A_106 : memref<1x1x1024xf32, #tpu.memory_space<vmem>> -> memref<1024xf32, #tpu.memory_space<vmem>>
        %dma_start3A_108 = arith.constant 0 : i32
        %dma_start3A_109 = tpu.memref_slice %arg8[%rem3A_103, %dma_start3A_104, %dma_start3A_108] : memref<4x1x1024xi32, #tpu.memory_space<vmem>> -> memref<1x1x1024xi32, #tpu.memory_space<vmem>>
        %dma_start3A_110 = tpu.memref_squeeze %dma_start3A_109 : memref<1x1x1024xi32, #tpu.memory_space<vmem>> -> memref<1024xi32, #tpu.memory_space<vmem>>
        %dma_start3A_111 = arith.constant 0 : i32
        %dma_start3A_112 = tpu.memref_slice %arg13[%dma_start3A_111] : memref<100352xf32, #tpu.memory_space<vmem_shared>> -> memref<100352xf32, #tpu.memory_space<vmem_shared>>
        tpu.enqueue_indirect_dma source(%dma_start3A_107 : memref<1024xf32, #tpu.memory_space<vmem>>) target(%dma_start3A_112 : memref<100352xf32, #tpu.memory_space<vmem_shared>>) offsets(%dma_start3A_110 : memref<1024xi32, #tpu.memory_space<vmem>>) semaphore(%arg15 : memref<!tpu.dma_semaphore, #tpu.memory_space<semaphore_mem>>) {add = true}
      } else {
      }
    }
    %scan3A_30 = arith.constant 196 : i32
    %mul3A_31 = arith.constant 194 : i32
    %mul3A_32 = arith.constant 32 : i32
    %mul3A_33 = arith.muli %mul3A_31, %mul3A_32 : i32
    %add3A_34 = arith.addi %mul3A_33, %add3A : i32
    %lt3A_35 = arith.constant 6250 : i32
    %lt3A_36 = arith.cmpi slt, %add3A_34, %lt3A_35 : i32
    %and3A = arith.constant true
    %and3A_37 = arith.andi %and3A, %lt3A_36 : i1
    %convert_element_type3A_38 = arith.extui %and3A_37 : i1 to i32
    %cond3A_39 = arith.constant 194 : i32
    %cond3A_40 = arith.constant 0 : i32
    %cond3A_41 = arith.cmpi ne, %convert_element_type3A_38, %cond3A_40 : i32
    scf.if %cond3A_41 {
      %rem3A = arith.constant 4 : i32
      %rem3A_57 = arith.remsi %cond3A_39, %rem3A : i32
      %dma_wait3A = arith.constant 0 : i32
      %dma_wait3A_58 = arith.constant 0 : i32
      %dma_wait3A_59 = arith.constant 0 : i32
      %dma_wait3A_60 = tpu.memref_slice %arg11[%rem3A_57, %dma_wait3A, %dma_wait3A_59] : memref<4x1x1024xf32, #tpu.memory_space<vmem>> -> memref<1x1x1024xf32, #tpu.memory_space<vmem>>
      %dma_wait3A_61 = tpu.memref_squeeze %dma_wait3A_60 : memref<1x1x1024xf32, #tpu.memory_space<vmem>> -> memref<1024xf32, #tpu.memory_space<vmem>>
      %dma_wait3A_62 = arith.constant 0 : i32
      %dma_wait3A_63 = tpu.memref_slice %arg8[%rem3A_57, %dma_wait3A_58, %dma_wait3A_62] : memref<4x1x1024xi32, #tpu.memory_space<vmem>> -> memref<1x1x1024xi32, #tpu.memory_space<vmem>>
      %dma_wait3A_64 = tpu.memref_squeeze %dma_wait3A_63 : memref<1x1x1024xi32, #tpu.memory_space<vmem>> -> memref<1024xi32, #tpu.memory_space<vmem>>
      %dma_wait3A_65 = arith.constant 0 : i32
      %dma_wait3A_66 = tpu.memref_slice %arg13[%dma_wait3A_65] : memref<100352xf32, #tpu.memory_space<vmem_shared>> -> memref<100352xf32, #tpu.memory_space<vmem_shared>>
      tpu.wait_indirect_dma semaphore(%arg15 : memref<!tpu.dma_semaphore, #tpu.memory_space<semaphore_mem>>) src(%dma_wait3A_61 : memref<1024xf32, #tpu.memory_space<vmem>>) dst(%dma_wait3A_66 : memref<100352xf32, #tpu.memory_space<vmem_shared>>)
    } else {
    }
    %mul3A_42 = arith.constant 195 : i32
    %mul3A_43 = arith.constant 32 : i32
    %mul3A_44 = arith.muli %mul3A_42, %mul3A_43 : i32
    %add3A_45 = arith.addi %mul3A_44, %add3A : i32
    %lt3A_46 = arith.constant 6250 : i32
    %lt3A_47 = arith.cmpi slt, %add3A_45, %lt3A_46 : i32
    %and3A_48 = arith.constant true
    %and3A_49 = arith.andi %and3A_48, %lt3A_47 : i1
    %convert_element_type3A_50 = arith.extui %and3A_49 : i1 to i32
    %cond3A_51 = arith.constant 195 : i32
    %cond3A_52 = arith.constant 0 : i32
    %cond3A_53 = arith.cmpi ne, %convert_element_type3A_50, %cond3A_52 : i32
    scf.if %cond3A_53 {
      %rem3A = arith.constant 4 : i32
      %rem3A_57 = arith.remsi %cond3A_51, %rem3A : i32
      %dma_wait3A = arith.constant 0 : i32
      %dma_wait3A_58 = arith.constant 0 : i32
      %dma_wait3A_59 = arith.constant 0 : i32
      %dma_wait3A_60 = tpu.memref_slice %arg11[%rem3A_57, %dma_wait3A, %dma_wait3A_59] : memref<4x1x1024xf32, #tpu.memory_space<vmem>> -> memref<1x1x1024xf32, #tpu.memory_space<vmem>>
      %dma_wait3A_61 = tpu.memref_squeeze %dma_wait3A_60 : memref<1x1x1024xf32, #tpu.memory_space<vmem>> -> memref<1024xf32, #tpu.memory_space<vmem>>
      %dma_wait3A_62 = arith.constant 0 : i32
      %dma_wait3A_63 = tpu.memref_slice %arg8[%rem3A_57, %dma_wait3A_58, %dma_wait3A_62] : memref<4x1x1024xi32, #tpu.memory_space<vmem>> -> memref<1x1x1024xi32, #tpu.memory_space<vmem>>
      %dma_wait3A_64 = tpu.memref_squeeze %dma_wait3A_63 : memref<1x1x1024xi32, #tpu.memory_space<vmem>> -> memref<1024xi32, #tpu.memory_space<vmem>>
      %dma_wait3A_65 = arith.constant 0 : i32
      %dma_wait3A_66 = tpu.memref_slice %arg13[%dma_wait3A_65] : memref<100352xf32, #tpu.memory_space<vmem_shared>> -> memref<100352xf32, #tpu.memory_space<vmem_shared>>
      tpu.wait_indirect_dma semaphore(%arg15 : memref<!tpu.dma_semaphore, #tpu.memory_space<semaphore_mem>>) src(%dma_wait3A_61 : memref<1024xf32, #tpu.memory_space<vmem>>) dst(%dma_wait3A_66 : memref<100352xf32, #tpu.memory_space<vmem_shared>>)
    } else {
    }
    %barrier3A_54 = arith.constant 0 : index
    tpu.barrier barrier_id(%barrier3A_54)
    %mul3A_55 = arith.constant 6272 : i32
    %mul3A_56 = arith.muli %arg1, %mul3A_55 : i32
    "tpu.region"() ({
      %run_scoped3A = tpu.sem_alloc : memref<!tpu.dma_semaphore, #tpu.memory_space<semaphore_mem>>
      %dma_start3A = tpu.memref_slice %arg13[%mul3A_56] : memref<100352xf32, #tpu.memory_space<vmem_shared>> -> memref<6272xf32, #tpu.memory_space<vmem_shared>>
      %dma_start3A_57 = tpu.memref_slice %arg13[%mul3A_56] : memref<100352xf32, #tpu.memory_space<vmem_shared>> -> memref<6272xf32, #tpu.memory_space<vmem_shared>>
      tpu.enqueue_dma source(%dma_start3A_57 : memref<6272xf32, #tpu.memory_space<vmem_shared>>) target(%arg12 : memref<6272xf32, #tpu.memory_space<vmem>>) target_semaphore(%run_scoped3A : memref<!tpu.dma_semaphore, #tpu.memory_space<semaphore_mem>>)
      %dma_wait3A = tpu.memref_slice %arg13[%mul3A_56] : memref<100352xf32, #tpu.memory_space<vmem_shared>> -> memref<6272xf32, #tpu.memory_space<vmem_shared>>
      %dma_wait3A_58 = tpu.memref_slice %arg13[%mul3A_56] : memref<100352xf32, #tpu.memory_space<vmem_shared>> -> memref<6272xf32, #tpu.memory_space<vmem_shared>>
      tpu.wait_dma2 semaphore(%run_scoped3A : memref<!tpu.dma_semaphore, #tpu.memory_space<semaphore_mem>>) src(%dma_wait3A_58 : memref<6272xf32, #tpu.memory_space<vmem_shared>>) dst(%arg12 : memref<6272xf32, #tpu.memory_space<vmem>>)
      tpu.yield
    }) : () -> ()
    "tpu.region"() ({
      %run_scoped3A = tpu.sem_alloc : memref<!tpu.dma_semaphore, #tpu.memory_space<semaphore_mem>>
      %dma_start3A = arith.constant 0 : i32
      %dma_start3A_57 = tpu.memref_slice %arg6[%arg0, %arg1, %dma_start3A] : memref<2x16x6272xf32, #tpu.memory_space<hbm>> -> memref<1x1x6272xf32, #tpu.memory_space<hbm>>
      %dma_start3A_58 = tpu.memref_squeeze %dma_start3A_57 : memref<1x1x6272xf32, #tpu.memory_space<hbm>> -> memref<6272xf32, #tpu.memory_space<hbm>>
      %dma_start3A_59 = arith.constant 0 : i32
      %dma_start3A_60 = tpu.memref_slice %arg6[%arg0, %arg1, %dma_start3A_59] : memref<2x16x6272xf32, #tpu.memory_space<hbm>> -> memref<1x1x6272xf32, #tpu.memory_space<hbm>>
      %dma_start3A_61 = tpu.memref_squeeze %dma_start3A_60 : memref<1x1x6272xf32, #tpu.memory_space<hbm>> -> memref<6272xf32, #tpu.memory_space<hbm>>
      tpu.enqueue_dma source(%arg12 : memref<6272xf32, #tpu.memory_space<vmem>>) target(%dma_start3A_61 : memref<6272xf32, #tpu.memory_space<hbm>>) target_semaphore(%run_scoped3A : memref<!tpu.dma_semaphore, #tpu.memory_space<semaphore_mem>>)
      %dma_wait3A = arith.constant 0 : i32
      %dma_wait3A_62 = tpu.memref_slice %arg6[%arg0, %arg1, %dma_wait3A] : memref<2x16x6272xf32, #tpu.memory_space<hbm>> -> memref<1x1x6272xf32, #tpu.memory_space<hbm>>
      %dma_wait3A_63 = tpu.memref_squeeze %dma_wait3A_62 : memref<1x1x6272xf32, #tpu.memory_space<hbm>> -> memref<6272xf32, #tpu.memory_space<hbm>>
      %dma_wait3A_64 = arith.constant 0 : i32
      %dma_wait3A_65 = tpu.memref_slice %arg6[%arg0, %arg1, %dma_wait3A_64] : memref<2x16x6272xf32, #tpu.memory_space<hbm>> -> memref<1x1x6272xf32, #tpu.memory_space<hbm>>
      %dma_wait3A_66 = tpu.memref_squeeze %dma_wait3A_65 : memref<1x1x6272xf32, #tpu.memory_space<hbm>> -> memref<6272xf32, #tpu.memory_space<hbm>>
      tpu.wait_dma2 semaphore(%run_scoped3A : memref<!tpu.dma_semaphore, #tpu.memory_space<semaphore_mem>>) src(%arg12 : memref<6272xf32, #tpu.memory_space<vmem>>) dst(%dma_wait3A_66 : memref<6272xf32, #tpu.memory_space<hbm>>)
      tpu.yield
    }) : () -> ()
    return
  }
}

</mosaic_0001>

<sc_bundles>
// kernel: kernel.3.cloned.1.call-start
scs
__scs_entry_jumppad:
0x0: {  	(pc) =	sbr.rel $0x88, $3  }
0x1: {  	(tag) =	ssettag $0x0;
	lr =	simm.s32 $0x1  }
0x2: {  	[smem:$0x3F9E] =	sst lr;
	_ =	strace $0xD0000000  }
0x3: {  	_ = 	snop  }
0x4: {  	_ = 	snop  }
0x5: {  	_ = 	snop  }
0x6: {  	_ = 	snop  }
0x7: {  	_ = 	snop  }
__scs_overlays_trampoline_lowered:
0x8: {  	[smem:$0x3FAD] =	sst s0  }
0x9: {  	[smem:$0x3FAE] =	sst s1  }
0xa: {  	[smem:$0x3FAF] =	sst s2  }
0xb: {  	[smem:$0x3FB0] =	sst s3  }
0xc: {  	[smem:$0x3FB1] =	sst s4  }
0xd: {  	[smem:$0x3FB2] =	sst s5  }
0xe: {  	[smem:$0x3FB3] =	sst s6  }
0xf: {  	[smem:$0x3FB4] =	sst s7  }
0x10: {  	[smem:$0x3FB5] =	sst s8  }
0x11: {  	[smem:$0x3FB6] =	sst s9;
	s0 =	simm.s32 @!p0 $0x0  }
0x12: {  	s1 =	sld [smem:$0x3F9C];
	s0 =	simm.s32 @p0 $0x1  }
0x13: {  	[smem:$0x3FB7] =	sst s0;
	s0 =	simm.s32 @!p1 $0x0  }
0x14: {  	s2 =	sld [smem:$0x3F9B];
	s0 =	simm.s32 @p1 $0x1  }
0x15: {  	[smem:$0x3FB8] =	sst s0;
	s0 =	simm.s32 @!p2 $0x0  }
0x16: {  	s3 =	sld [smem:$0x3FDB];
	s0 =	simm.s32 @p2 $0x1  }
0x17: {  	s4 =	simm.s32 $0x1BF5;
	[smem:$0x3FBA] =	sst s0  }
0x18: {  	s0 =	sld [smem:$0x3F9D];
	_ =	swait.ge [sflag:s4], $0x0  }
0x19: {  	s7 =	sld [smem:$0x3F9E]  }
0x1a: {  	s8 =	sadd.s32 $0xFFFFE003, lr  }
0x1b: {  	s9 =	sadd.s32 $0xFFFFFEF7, lr;
	s5 =	simm.s32 $0xFFFFFFFF;
	p2 =	slt.u32 s8, $0xFFFFF086  }
0x1c: {  	p1 =	slt.u32 s9, $0xF7A;
	s5 =	simm.s32 @!p2 $0x0  }
0x1d: {  	s5 =	simm.s32 @p1 $0x1;
	p0 =	seq.s32 s7, s2  }
0x1e: {  	s7 =	smul.u32 @!p0 $0xF7A, s2;
	p2 =	seq.s32 @!p0 s5, $0x0  }
0x1f: {  	s9 =	smul.u32 $0xF7A, s1;
	s8 =	simm.s32 @!p0 $0x1BF5;
	p2 =	por !p2, p0  }
0x20: {  	[sflag:s8] =	ssyncset.s32 @!p0 $0xFFFFF086;
	s6 =	sadd.s32 @!p0 s3, s7;
	s7 =	simm.s32 @!p0 $0x108  }
0x21: {  	s3 =	sadd.s32 s3, s9;
	s6 =	sadd.s32 @!p0 $0x88, s6;
	s7 =	simm.s32 @p2 $0x1082  }
0x22: {  	[simem:s7], [sflag:s8] =	dma.local @!p0 [hbm:s6], $0xF7A  }
0x23: {  	s9 =	sor.u32 $0xD0000000, s2;
	s6 =	simm.s32 $0x108;
	_ =	swait.ge @!p0 [sflag:s8], $0x0  }
0x24: {  	s3 =	sadd.s32 $0x88, s3;
	s6 =	simm.s32 @!p1 $0x1082;
	[sflag:s4] =	ssyncset.s32 $0xFFFFF086  }
0x25: {  	[simem:s6], [sflag:s4] =	dma.local [hbm:s3], $0xF7A  }
0x26: {  	[smem:$0x3F9E] =	sst s1;
	(tag) =	ssettag s2;
	_ =	strace s9  }
0x27: {  	s1 =	sld [smem:$0x3FAE]  }
0x28: {  	s2 =	sld [smem:$0x3FAF]  }
0x29: {  	s4 =	sld [smem:$0x3FB1]  }
0x2a: {  	p0 =	seq.s32 s5, $0x0;
	s5 =	sld [smem:$0x3FB2]  }
0x2b: {  	s6 =	sld [smem:$0x3FB3]  }
0x2c: {  	s7 =	sld [smem:$0x3FB4]  }
0x2d: {  	s3 =	simm.s32 $0x108;
	s8 =	sld [smem:$0x3FB5]  }
0x2e: {  	s3 =	simm.s32 @!p0 $0x1082;
	s9 =	sld [smem:$0x3FB6]  }
0x2f: {  	lr =	sadd.s32 s0, s3;
	s0 =	sld [smem:$0x3FAD]  }
0x30: {  	s3 =	sld [smem:$0x3FB0]  }
0x31: {  	[smem:$0x3FB9] =	sst s10  }
0x32: {  	s10 =	sld [smem:$0x3FB7];
	_ =	sdelay $0x3  }
0x33: {  	p0 =	seq.s32 s10, $0x1;
	s10 =	sld [smem:$0x3FB9];
	_ =	sdelay $0x3  }
0x34: {  	[smem:$0x3FB9] =	sst s10  }
0x35: {  	s10 =	sld [smem:$0x3FB8];
	_ =	sdelay $0x3  }
0x36: {  	p1 =	seq.s32 s10, $0x1;
	s10 =	sld [smem:$0x3FB9];
	_ =	sdelay $0x3  }
0x37: {  	[smem:$0x3FB9] =	sst s10  }
0x38: {  	s10 =	sld [smem:$0x3FBA]  }
0x39: {  	_ = 	snop;
	(pc) =	sbr.ind lr, $3  }
0x3a: {  	_ = 	snop  }
0x3b: {  	_ = 	snop  }
0x3c: {  	p2 =	seq.s32 s10, $0x1;
	s10 =	sld [smem:$0x3FB9]  }
0x3d: {  	_ =	shalt  }
0x3e: {  	_ =	shalt  }
0x3f: {  	_ =	shalt  }
0x40: {  	_ =	shalt  }
0x41: {  	_ =	shalt  }
0x42: {  	_ =	shalt  }
0x43: {  	_ =	shalt  }
0x44: {  	_ =	shalt  }
0x45: {  	_ =	shalt  }
0x46: {  	_ =	shalt  }
0x47: {  	_ =	shalt  }
0x48: {  	_ =	shalt  }
0x49: {  	_ =	shalt  }
0x4a: {  	_ =	shalt  }
0x4b: {  	_ =	shalt  }
0x4c: {  	_ =	shalt  }
0x4d: {  	_ =	shalt  }
0x4e: {  	_ =	shalt  }
0x4f: {  	_ =	shalt  }
0x50: {  	_ =	shalt  }
0x51: {  	_ =	shalt  }
0x52: {  	_ =	shalt  }
0x53: {  	_ =	shalt  }
0x54: {  	_ =	shalt  }
0x55: {  	_ =	shalt  }
0x56: {  	_ =	shalt  }
0x57: {  	_ =	shalt  }
0x58: {  	_ =	shalt  }
0x59: {  	_ =	shalt  }
0x5a: {  	_ =	shalt  }
0x5b: {  	_ =	shalt  }
0x5c: {  	_ =	shalt  }
0x5d: {  	_ =	shalt  }
0x5e: {  	_ =	shalt  }
0x5f: {  	_ =	shalt  }
0x60: {  	_ =	shalt  }
0x61: {  	_ =	shalt  }
0x62: {  	_ =	shalt  }
0x63: {  	_ =	shalt  }
0x64: {  	_ =	shalt  }
0x65: {  	_ =	shalt  }
0x66: {  	_ =	shalt  }
0x67: {  	_ =	shalt  }
0x68: {  	_ =	shalt  }
0x69: {  	_ =	shalt  }
0x6a: {  	_ =	shalt  }
0x6b: {  	_ =	shalt  }
0x6c: {  	_ =	shalt  }
0x6d: {  	_ =	shalt  }
0x6e: {  	_ =	shalt  }
0x6f: {  	_ =	shalt  }
0x70: {  	_ =	shalt  }
0x71: {  	_ =	shalt  }
0x72: {  	_ =	shalt  }
0x73: {  	_ =	shalt  }
0x74: {  	_ =	shalt  }
0x75: {  	_ =	shalt  }
0x76: {  	_ =	shalt  }
0x77: {  	_ =	shalt  }
0x78: {  	_ =	shalt  }
0x79: {  	_ =	shalt  }
0x7a: {  	_ =	shalt  }
0x7b: {  	_ =	shalt  }
0x7c: {  	_ =	shalt  }
0x7d: {  	_ =	shalt  }
0x7e: {  	_ =	shalt  }
0x7f: {  	_ =	shalt  }
0x80: {  	_ =	shalt  }
0x81: {  	_ =	shalt  }
0x82: {  	_ =	shalt  }
0x83: {  	_ =	shalt  }
0x84: {  	_ =	shalt  }
0x85: {  	_ =	shalt  }
0x86: {  	_ =	shalt  }
0x87: {  	_ =	shalt  }
.Lfunc_end0:
.L_simem_size_0:
called_computation_lowered:
.L_overlay_start_0:
0x88: {  	s2 =	sld [smem:$0x3FD9]  }
0x89: {  	s3 =	sld [smem:$0x3FFE];
	_ =	sdelay $0x1  }
0x8a: {  	s1 =	srdreg.scid  }
0x8b: {  	s0 =	sand.u32 $0x1, s1  }
0x8c: {  	s17 =	sshll.u32 s0, $0xA;
	s2 =	sadd.s32 s3, s2  }
0x8d: {  	s2 =	sadd.s32 s2, s17  }
0x8e: {  	[smem:$0x3FC5] =	sst s2  }
0x8f: {  	_ = 	snop  }
0x90: {  	s2 =	sld [smem:$0x3FC8]  }
0x91: {  	s18 =	sld [smem:$0x3FD0];
	(tm) =	ssettm $0x1  }
0x92: {  	s4 =	sld [smem:$0x3FFB];
	_ =	sdelay $0x3  }
0x93: {  	_ =	strace s4  }
0x94: {  	s4 =	sld [smem:$0x3FFC];
	_ =	sdelay $0x3  }
0x95: {  	_ =	strace s4  }
0x96: {  	s4 =	sld [smem:$0x3FFD];
	_ =	sdelay $0x3  }
0x97: {  	_ =	strace s4  }
0x98: {  	_ =	strace $0x8FFFFFFF  }
0x99: {  	s19 =	sld [smem:$0x3FDB];
	_ =	sdelay $0x1  }
0x9a: {  	s5 =	simm.s32 $_scs_section_size  }
0x9b: {  	s6 =	simm.s32 $_size__tile_overlayer_lowered;
	s7 =	simm.s32 $_tile_overlayer_lowered  }
0x9c: {  	s22 =	simm.s32 $0x1BFF;
	s21 =	sshll.u32 s7, $0x1;
	s4 =	sadd.s32 s5, s19  }
0x9d: {  	s8 =	simm.s32 $0x0;
	s20 =	sshll.u32 s6, $0x1;
	s6 =	sadd.s32 s21, s4  }
0x9e: {  	[timem:s8], [sflag:s22] =	dma.local [hbm:s6], s20  }
0x9f: {  	_ =	swait.ge [sflag:s22], s20  }
0xa0: {  	s5 =	ssub.s32 $0x0, s20;
	[sflag:s22] =	ssyncset.done $0x0  }
0xa1: {  	[sflag:s22] =	ssyncadd.s32 s5;
	_ =	sdelay $0x1  }
0xa2: {  	s23 =	simm.s32 $0x1B8B  }
0xa3: {  	_ =	swait.ge [sflag:s23], $0x1  }
0xa4: {  	[sflag:s23] =	ssyncset.done $0x0  }
0xa5: {  	s25 =	simm.s32 $0x1B8E;
	s24 =	sld [smem:$0x3FFE];
	[sflag:s23] =	ssyncadd.s32 $0xFFFFFFFF  }
0xa6: {  	s26 =	simm.s32 $execute0_lowered;
	[smem:$0x3FD2] =	sst s25  }
0xa7: {  	s6 =	sshll.u32 s26, $0x1;
	_ =	strace $0x80000046;
	[dreg:$0x1] =	wrdreg $0xFFFFFFFF  }
0xa8: {  	s28 =	simm.s32 $_size_execute0_lowered;
	s4 =	sadd.s32 s4, s6;
	[dreg:$0x0] =	wrdreg $0x0  }
0xa9: {  	s6 =	sshll.u32 s28, $0x1;
	[dreg:$0x2] =	wrdreg s4  }
0xaa: {  	[dreg:$0x3] =	wrdreg s6  }
0xab: {  	[dreg:$0x4] =	wrdreg $0xC0  }
0xac: {  	_ =	task [dreg:s8], $0x5FFFF  }
0xad: {  	[dreg:$0x1] =	wrdreg $0xFFFFFFFF  }
0xae: {  	[dreg:$0x0] =	wrdreg $0x60  }
0xaf: {  	[dreg:$0x2] =	wrdreg s24  }
0xb0: {  	[dreg:$0x3] =	wrdreg s2  }
0xb1: {  	[dreg:$0x4] =	wrdreg s18  }
0xb2: {  	[dreg:$0x5] =	wrdreg $0x1DF800  }
0xb3: {  	[dreg:$0x6] =	wrdreg $0x9  }
0xb4: {  	_ =	task.clear_ibuf [dreg:s8], $0x7FFFF;
	_ =	strace $0x90000046  }
0xb5: {  	s29 =	simm.s32 $0x9;
	_ =	strace $0x80000048  }
0xb6: {  	_ =	swait.ge [sflag:s29], $0x1  }
0xb7: {  	[sflag:s29] =	ssyncadd.s32 $0xFFFFFFFF  }
0xb8: {  	_ =	strace $0x90000048  }
0xb9: {  	_ =	sfence  }
0xba: {  	s30 =	sld [smem:$0x0];
	_ =	sdelay $0x2  }
0xbb: {  	s31 =	sshll.u32 s1, $0xD;
	s1 =	sshrl.u32 s1, $0x2  }
0xbc: {  	s3 =	sand.u32 $0x4000, s31;
	s1 =	sadd.s32 s1, s30  }
0xbd: {  	s0 =	sor.u32 s3, s0;
	s1 =	sshll.u32 s1, $0x11  }
0xbe: {  	s0 =	sor.u32 s1, s0  }
0xbf: {  	s0 =	sadd.s32 $0x8F2B, s0  }
0xc0: {  	[sflag:s0] =	ssyncadd.remote.s32 $0x1  }
0xc1: {  	_ =	sfence.sel $0xFFFF  }
0xc2: {  	[dreg:$0x0] =	wrdreg $0xFFFFFFFF;
	(pc) =	sbr.abs _section_cstart, $3  }
0xc3: {  	[dreg:$0x1] =	wrdreg $0xFFFFFFFF  }
0xc4: {  	_ =	task.clear_ibuf [dreg:s8], $0x2FFFF;
	_ =	strace $0x9FFFFFFF  }
0xc5: {  	(tm) =	ssettm $0x7FFFFFFF  }
tec
execute0_lowered:
.L_overlay_start_1:
0x0: {  	(tag) =	ssettag $0x1  }
0x1: {  	s0 =	rddreg [dreg:$0x0]  }
0x2: {  	s2 =	srdreg.scid;
	s1 =	rddreg [dreg:$0x1]  }
0x3: {  	s8 =	stileid.u32;
	s4 =	rddreg [dreg:$0x3];
	s19 =	simm.s32 $0x3  }
0x4: {  	s20 =	simm.s32 $0x1C700;
	s28 =	simm.s32 $0x400;
	s29 =	simm.s32 $0x2  }
0x5: {  	s30 =	simm.s32 $0x80;
	s2 =	sand.u32 $0x1, s2;
	s10 =	smul.u32 $0x6200, s8  }
0x6: {  	s31 =	simm.s32 $0x0;
	s5 =	sshrl.u32 s8, $0x3;
	s3 =	smul.u32 $0x18800, s2  }
0x7: {  	s7 =	sshll.u32 s8, $0x7;
	s6 =	smul.u32 $0xC400, s5;
	s5 =	simm.s32 $0x0  }
0x8: {  	s22 =	sand.u32 $0x380, s7;
	s7 =	sadd.s32 $0x600, s0;
	s9 =	ssub.s32 $0x2, s2  }
0x9: {  	s2 =	sshll.u32 s2, $0x4;
	[smem:$0x7FF] =	sst s5;
	s23 =	sshrl.u32 s9, $0x1  }
0xa: {  	s8 =	sor.u32 s8, s2;
	s25 =	sshrl.u32 s10, $0x2;
	s3 =	sadd.s32 s3, s6  }
0xb: {  	_ =	strace $0x80000047;
	s6 =	sadd.s32 $0xC3C00, s0;
	s24 =	ssub.s32 s9, s23  }
0xc: {  	s12 =	sshll.u32 s8, $0x7;
	s9 =	sadd.s32 s25, s4;
	s16 =	ssub.s32 $0x186A, s8  }
.Ltmp0:
0xd: {  	p0 =	sgt.u32 s8, $0x9;
	s3 =	sor.u32 s22, s3;
	(pc) =	sbr.rel .LBB2_1-.Ltmp0, $4  }
0xe: {  	s10 =	sadd.s32 s6, s12;
	s26 =	sor.u32 $0x1000, s12;
	s11 =	sadd.s32 s7, s12  }
0xf: {  	s12 =	sadd.s32 s1, s12;
	s18 =	smax.u32 s24, $0x1;
	s3 =	sshrl.u32 s3, $0x3  }
0x10: {  	s13 =	sadd.s32 s6, s26;
	s14 =	sadd.s32 s7, s26;
	s0 =	sadd.s32 s3, s0  }
0x11: {  	v0 =	vimm.f32 $0.0e+00;
	s15 =	sadd.s32 s1, s26;
	s26 =	simm.s32 $0x1AB00;
	s17 =	sadd.s32 $0x187200, s0  }
.LBB2_9:
0x12: {  	_ =	swait.ge [sflag:s29], $0x400  }
0x13: {  	[sflag:s29] =	ssyncset.done $0x0  }
0x14: {  	s0 =	simm.s32 @!p0 $0x2;
	[sflag:s29] =	ssyncadd.s32 $0xFFFFFC00  }
0x15: {  	_ =	swait.ge @!p0 [sflag:s0], $0x400  }
0x16: {  	[sflag:s0] =	ssyncset.done @!p0 $0x0  }
0x17: {  	[sflag:s0] =	ssyncadd.s32 @!p0 $0xFFFFFC00  }
0x18: {  	[bflag:$0x0] =	sbarrier.arrive $0xFFFF  }
0x19: {  	[tilespmem:s20], [sflag:$0x3] =	stream.linear.gather [spmem:s9], $0x1880, $0x38;
	[tilespmem:$0x1F800] =	vst v63  }
0x1a: {  	s31 =	sadd.s32 $0x1, s31;
	_ =	swait.ge [sflag:s19], $0x1880  }
0x1b: {  	p1 =	sne.s32 s31, s18;
	[sflag:s19] =	ssyncset.done $0x0  }
.Ltmp1:
0x1c: {  	[sflag:s19] =	ssyncadd.s32 $0xFFFFE780;
	(pc) =	sbr.rel @!p1 .LBB2_10-.Ltmp1, $4  }
0x1d: {  	[hbm4b:s17+s30] =	stream.strided.scatter [tilespmem:s20], [sflag:$0x3], $0x1880, s28, s30, $0x38;
	[tilespmem:$0x1F800] =	vst v63  }
0x1e: {  	_ =	swait.ge [sflag:s19], $0x1880  }
0x1f: {  	[sflag:s19] =	ssyncset.done $0x0  }
0x20: {  	[sflag:s19] =	ssyncadd.s32 $0xFFFFE780  }
.LBB2_1:
0x21: {  	s0 =	rddreg [dreg:$0x2]  }
0x22: {  	[tilespmem:s5], [sflag:$0x3] =	stream.linear.gather [hbm4b:s0+s5], $0x18700, $0x38;
	[tilespmem:$0x1F800] =	vst v63  }
0x23: {  	_ =	swait.ge [sflag:s19], $0x18700  }
0x24: {  	[sflag:s19] =	ssyncset.done $0x0  }
0x25: {  	s2 =	simm.s32 $0x0;
	s0 =	simm.s32 $0x40;
	[sflag:s19] =	ssyncadd.s32 $0xFFFE7900  }
.LBB2_2:
0x26: {  	p1 =	sne.s32 s0, $0x61C0;
	[tilespmem:s2+$0x1C700] =	vst v0;
	s2 =	smov.u32 s0;
	s0 =	sadd.s32 $0x40, s0  }
.Ltmp2:
0x27: {  	(pc) =	sbr.rel @p1 .LBB2_2-.Ltmp2, $2  }
0x28: {  	_ =	sdelay $0x2  }
0x29: {  	s2 =	sshra.s32 s2, $0x2  }
0x2a: {  	[tilespmem:s2+$0x1C700] =	vst v0  }
0x2b: {  	[spmem:s9] =	stream.linear.scatter [tilespmem:s20], [sflag:$0x3], $0x1880, $0x38;
	[tilespmem:$0x1F800] =	vst v63  }
0x2c: {  	_ =	swait.ge [sflag:s19], $0x1880  }
0x2d: {  	[sflag:s19] =	ssyncset.done $0x0  }
0x2e: {  	[sflag:s19] =	ssyncadd.s32 $0xFFFFE780  }
0x2f: {  	s2 =	simm.s32 $0x0;
	s0 =	simm.s32 $0x18700;
	[bflag:$0x0] =	sbarrier.arrive $0xFFFF  }
0x30: {  	[tilespmem:s0], [sflag:$0x1] =	stream.linear.gather [hbm4b:s10+s2], $0x400, $0x38;
	[tilespmem:$0x1F800] =	vst v63  }
0x31: {  	s22 =	simm.s32 $0x19700  }
0x32: {  	[tilespmem:s22], [sflag:$0x1] =	stream.linear.gather [hbm4b:s11+s2], $0x400, $0x38;
	[tilespmem:$0x1F800] =	vst v63  }
0x33: {  	s23 =	simm.s32 $0x1A700  }
0x34: {  	[tilespmem:s23], [sflag:$0x1] =	stream.linear.gather [hbm4b:s12+s2], $0x400, $0x38;
	[tilespmem:$0x1F800] =	vst v63  }
0x35: {  	s24 =	simm.s32 $0x18B00  }
0x36: {  	[tilespmem:s24], [sflag:$0x1] =	stream.linear.gather [hbm4b:s13+s2], $0x400, $0x38;
	[tilespmem:$0x1F800] =	vst v63  }
.Ltmp3:
0x37: {  	_ = 	snop;
	(pc) =	sbr.rel .LBB2_4-.Ltmp3, $4  }
0x38: {  	s25 =	simm.s32 $0x19B00  }
0x39: {  	[tilespmem:s25], [sflag:$0x1] =	stream.linear.gather [hbm4b:s14+s2], $0x400, $0x38;
	[tilespmem:$0x1F800] =	vst v63  }
0x3a: {  	s0 =	simm.s32 $0x0  }
0x3b: {  	[tilespmem:s26], [sflag:$0x1] =	stream.linear.gather [hbm4b:s15+s2], $0x400, $0x38;
	[tilespmem:$0x1F800] =	vst v63  }
.LBB2_8:
0x3c: {  	s0 =	sadd.s32 $0x1, s0  }
0x3d: {  	p1 =	sne.s32 s0, $0xC4  }
.Ltmp4:
0x3e: {  	_ = 	snop;
	(pc) =	sbr.rel @!p1 .LBB2_9-.Ltmp4, $2  }
0x3f: {  	_ =	sdelay $0x2  }
0x40: {  	s2 =	sadd.s32 $0x1, s2  }
.LBB2_4:
0x41: {  	s3 =	sshll.u32 s0, $0x5  }
0x42: {  	p1 =	sge.u32 s3, s16  }
0x43: {  	s3 =	simm.s32 @!p1 $0x1  }
0x44: {  	_ =	swait.ge @!p1 [sflag:s3], $0x400  }
0x45: {  	[sflag:s3] =	ssyncset.done @!p1 $0x0  }
0x46: {  	[sflag:s3] =	ssyncadd.s32 @!p1 $0xFFFFFC00  }
0x47: {  	_ =	swait.ge @!p1 [sflag:s3], $0x400  }
0x48: {  	[sflag:s3] =	ssyncset.done @!p1 $0x0  }
0x49: {  	[sflag:s3] =	ssyncadd.s32 @!p1 $0xFFFFFC00  }
0x4a: {  	s21 =	sadd.s32 $0x2, s0;
	_ =	swait.ge @!p1 [sflag:s3], $0x400  }
0x4b: {  	p3 =	slt.u32 s0, $0x2;
	s22 =	sshll.u32 s21, $0x5;
	[sflag:s3] =	ssyncset.done @!p1 $0x0  }
0x4c: {  	s22 =	sor.u32 s8, s22;
	[sflag:s3] =	ssyncadd.s32 @!p1 $0xFFFFFC00;
	s3 =	simm.s32 @!p3 $0x2  }
0x4d: {  	p2 =	sgt.u32 s22, $0x1869;
	_ =	swait.ge @!p3 [sflag:s3], $0x400  }
0x4e: {  	s21 =	sshll.u32 @!p2 s21, $0xA;
	[sflag:s3] =	ssyncset.done @!p3 $0x0  }
0x4f: {  	[sflag:s3] =	ssyncadd.s32 @!p3 $0xFFFFFC00;
	s3 =	sand.u32 @!p2 $0xC00, s21;
	s21 =	sshll.u32 @!p2 s22, $0x7  }
0x50: {  	s24 =	simm.s32 @!p2 $0x0;
	s22 =	sadd.s32 @!p2 $0x18700, s3;
	s23 =	sadd.s32 @!p2 s6, s21  }
0x51: {  	[tilespmem:s22], [sflag:$0x1] =	stream.linear.gather @!p2 [hbm4b:s23+s24], $0x400, $0x38;
	[tilespmem:$0x1F800] =	vst v63  }
.Ltmp5:
0x52: {  	_ = 	snop;
	(pc) =	sbr.rel @p1 .LBB2_8-.Ltmp5, $4  }
0x53: {  	s22 =	sadd.s32 @!p2 $0x19700, s3;
	s23 =	sadd.s32 @!p2 s7, s21  }
0x54: {  	[tilespmem:s22], [sflag:$0x1] =	stream.linear.gather @!p2 [hbm4b:s23+s24], $0x400, $0x38;
	[tilespmem:$0x1F800] =	vst v63  }
0x55: {  	s3 =	sadd.s32 @!p2 $0x1A700, s3;
	s21 =	sadd.s32 @!p2 s1, s21  }
0x56: {  	[tilespmem:s3], [sflag:$0x1] =	stream.linear.gather @!p2 [hbm4b:s21+s24], $0x400, $0x38;
	[tilespmem:$0x1F800] =	vst v63  }
0x57: {  	s3 =	sshll.u32 s2, $0xA  }
0x58: {  	s22 =	sand.u32 $0xC00, s3  }
0x59: {  	s25 =	sadd.s32 $0x18740, s22  }
0x5a: {  	s3 =	sadd.s32 $0x19740, s22;
	v1 =	vld [tilespmem:s25+$0x30]  }
0x5b: {  	s21 =	sadd.s32 $0x1A740, s22;
	v2 =	vld [tilespmem:s3+$0x30]  }
0x5c: {  	v3 =	vld [tilespmem:s21+$0x30]  }
0x5d: {  	v4 =	vld [tilespmem:s21+$0xFFFFFFC0]  }
0x5e: {  	v5 =	vld [tilespmem:s21+$0xFFFFFFD0]  }
0x5f: {  	v7 =	vld [tilespmem:s21+$0xFFFFFFE0]  }
0x60: {  	v9 =	vld [tilespmem:s21+$0xFFFFFFF0]  }
0x61: {  	v10 =	vld [tilespmem:s21+$0x0]  }
0x62: {  	v11 =	vld [tilespmem:s21+$0x10]  }
0x63: {  	v13 =	vld [tilespmem:s21+$0x20]  }
0x64: {  	v6 =	vld [tilespmem:s3+$0xFFFFFFC0]  }
0x65: {  	v8 =	vld [tilespmem:s25+$0xFFFFFFD0]  }
0x66: {  	v12 =	vld [tilespmem:s3+$0xFFFFFFD0]  }
0x67: {  	v14 =	vld [tilespmem:s25+$0xFFFFFFE0]  }
0x68: {  	v15 =	vld [tilespmem:s3+$0xFFFFFFE0]  }
0x69: {  	v16 =	vld [tilespmem:s25+$0xFFFFFFF0]  }
0x6a: {  	v17 =	vld [tilespmem:s3+$0xFFFFFFF0]  }
0x6b: {  	v18 =	vld [tilespmem:s25+$0x0]  }
0x6c: {  	v19 =	vld [tilespmem:s3+$0x0]  }
0x6d: {  	v20 =	vld [tilespmem:s25+$0x10]  }
0x6e: {  	v21 =	vld [tilespmem:s3+$0x10]  }
0x6f: {  	v22 =	vld [tilespmem:s25+$0x20]  }
0x70: {  	v23 =	vld [tilespmem:s3+$0x20]  }
0x71: {  	v24 =	vld [tilespmem:s25+$0xFFFFFFC0];
	(erf) = vrcp.f32 v3  }
0x72: {  	(erf) = vrcp.f32 v4;
	v1 =	vld.idx.msk [tilespmem:v1+s5+$0x0], $0xffff  }
0x73: {  	(erf) = vrcp.f32 v5;
	v2 =	vld.idx.msk [tilespmem:v2+s5+$0x0], $0xffff  }
0x74: {  	(erf) = vrcp.f32 v7;
	v25 =	vld.idx.msk [tilespmem:v6+s5+$0x0], $0xffff  }
0x75: {  	v6 =	vld.idx.msk [tilespmem:v8+s5+$0x0], $0xffff;
	(erf) = vrcp.f32 v9  }
0x76: {  	v8 =	vld.idx.msk [tilespmem:v12+s5+$0x0], $0xffff;
	(erf) = vrcp.f32 v10  }
0x77: {  	v12 =	vld.idx.msk [tilespmem:v14+s5+$0x0], $0xffff;
	(erf) = vrcp.f32 v11  }
0x78: {  	v14 =	vld.idx.msk [tilespmem:v15+s5+$0x0], $0xffff;
	(erf) = vrcp.f32 v13  }
0x79: {  	v15 =	vld.idx.msk [tilespmem:v16+s5+$0x0], $0xffff  }
0x7a: {  	v17 =	vld.idx.msk [tilespmem:v17+s5+$0x0], $0xffff;
	v2 =	vmul.f32 v2, v1;
	v61 =	vpop (erf)  }
0x7b: {  	vm0 =	vlt.f32 v4, $1.000000000e+01;
	v24 =	vld.idx.msk [tilespmem:v24+s5+$0x0], $0xffff;
	v1 =	vpop (erf)  }
0x7c: {  	vm5 =	vlt.f32 v7, $1.000000000e+01;
	v7 =	vld.idx.msk [tilespmem:v20+s5+$0x0], $0xffff;
	v4 =	vmul.f32 v8, v6;
	v2 =	vmul.f32 v61, v2;
	v26 =	vpop (erf)  }
0x7d: {  	vm3 =	vlt.f32 v5, $1.000000000e+01;
	vm2 =	vlt.f32 v3, $1.000000000e+01;
	v6 =	vld.idx.msk [tilespmem:v18+s5+$0x0], $0xffff;
	v62 =	vpop (erf)  }
0x7e: {  	v8 =	vld.idx.msk [tilespmem:v19+s5+$0x0], $0xffff;
	v12 =	vmul.f32 v14, v12;
	v63 =	vmul.f32 v26, v4;
	v2 =	vnsel vm2, $0x0, v2;
	v5 =	vpop (erf)  }
0x7f: {  	s22 =	sadd.s32 $0x1B740, s22;
	vm4 =	vlt.f32 v9, $1.000000000e+01;
	vm1 =	vlt.f32 v10, $1.000000000e+01;
	v9 =	vld.idx.msk [tilespmem:v21+s5+$0x0], $0xffff;
	v14 =	vmul.f32 v17, v15;
	v3 =	vpop (erf)  }
0x80: {  	s23 =	sshll.u32 s0, $0xA;
	v10 =	vld.idx.msk [tilespmem:v22+s5+$0x0], $0xffff;
	vm2 =	vlt.f32 v11, $1.000000000e+01;
	[tilespmem:s22+$0x30] =	vst v2;
	v12 =	vmul.f32 v62, v12;
	v11 =	vnsel vm3, $0x0, v63;
	v4 =	vpop (erf)  }
0x81: {  	s24 =	simm.s32 $0x0;
	s23 =	sand.u32 $0xC00, s23;
	s25 =	sadd.s32 $0x80, s25;
	vm3 =	vlt.f32 v13, $1.000000000e+01;
	v13 =	vmul.f32 v25, v24;
	[tilespmem:s22+$0xFFFFFFD0] =	vst v11;
	v11 =	vld.idx.msk [tilespmem:v23+s5+$0x0], $0xffff;
	v2 =	vpop (erf)  }
.LBB2_6:
0x82: {  	v15 =	vld [tilespmem:s25+$0x30];
	v12 =	vnsel vm5, $0x0, v12;
	v5 =	vmul.f32 v5, v14;
	s3 =	sadd.s32 $0x80, s3  }
0x83: {  	s24 =	sadd.s32 $0x8, s24;
	v6 =	vmul.f32 v8, v6;
	s21 =	sadd.s32 $0x80, s21;
	v14 =	vld [tilespmem:s3+$0x30];
	v1 =	vmul.f32 v1, v13;
	[tilespmem:s22+$0xFFFFFFE0] =	vst v12  }
0x84: {  	p1 =	slt.u32 s24, $0x38;
	v8 =	vld [tilespmem:s21+$0x30];
	v5 =	vnsel vm4, $0x0, v5  }
0x85: {  	v3 =	vmul.f32 v3, v6;
	v12 =	vld [tilespmem:s21+$0xFFFFFFC0];
	v1 =	vnsel vm0, $0x0, v1;
	[tilespmem:s22+$0xFFFFFFF0] =	vst v5;
	v5 =	vmul.f32 v9, v7  }
0x86: {  	v6 =	vld [tilespmem:s21+$0xFFFFFFD0];
	[tilespmem:s22+$0xFFFFFFC0] =	vst v1  }
0x87: {  	v3 =	vnsel vm1, $0x0, v3;
	v1 =	vld [tilespmem:s21+$0xFFFFFFE0];
	v4 =	vmul.f32 v4, v5;
	v5 =	vmul.f32 v11, v10  }
0x88: {  	v7 =	vld [tilespmem:s21+$0xFFFFFFF0];
	[tilespmem:s22+$0x0] =	vst v3  }
0x89: {  	v3 =	vld [tilespmem:s21+$0x0];
	(erf) = vrcp.f32 v8;
	v4 =	vnsel vm2, $0x0, v4;
	v2 =	vmul.f32 v2, v5  }
0x8a: {  	vm0 =	vlt.f32 v12, $1.000000000e+01;
	v5 =	vld.idx.msk [tilespmem:v15+s5+$0x0], $0xffff;
	(erf) = vrcp.f32 v12;
	[tilespmem:s22+$0x10] =	vst v4  }
0x8b: {  	vm6 =	vlt.f32 v6, $1.000000000e+01;
	v4 =	vld.idx.msk [tilespmem:v14+s5+$0x0], $0xffff;
	(erf) = vrcp.f32 v6;
	v2 =	vnsel vm3, $0x0, v2  }
0x8c: {  	vm5 =	vlt.f32 v1, $1.000000000e+01;
	v6 =	vld [tilespmem:s21+$0x10];
	(erf) = vrcp.f32 v1;
	[tilespmem:s22+$0x20] =	vst v2  }
0x8d: {  	vm4 =	vlt.f32 v7, $1.000000000e+01;
	v1 =	vld [tilespmem:s21+$0x20];
	(erf) = vrcp.f32 v7  }
0x8e: {  	v7 =	vld [tilespmem:s3+$0xFFFFFFC0];
	vm1 =	vlt.f32 v3, $1.000000000e+01;
	(erf) = vrcp.f32 v3  }
0x8f: {  	v9 =	vld [tilespmem:s25+$0xFFFFFFD0]  }
0x90: {  	v10 =	vld [tilespmem:s3+$0xFFFFFFD0]  }
0x91: {  	v2 =	vmul.f32 v4, v5;
	v11 =	vld [tilespmem:s25+$0xFFFFFFE0];
	vm2 =	vlt.f32 v6, $1.000000000e+01;
	(erf) = vrcp.f32 v6  }
0x92: {  	v6 =	vld [tilespmem:s3+$0xFFFFFFE0];
	vm3 =	vlt.f32 v1, $1.000000000e+01;
	(erf) = vrcp.f32 v1;
	v1 =	vpop (erf)  }
0x93: {  	v12 =	vld [tilespmem:s25+$0xFFFFFFF0];
	v2 =	vmul.f32 v1, v2;
	v1 =	vpop (erf)  }
0x94: {  	vm7 =	vlt.f32 v8, $1.000000000e+01;
	v13 =	vld [tilespmem:s3+$0xFFFFFFF0];
	v14 =	vpop (erf)  }
0x95: {  	s22 =	sadd.s32 $0x80, s22;
	v8 =	vld [tilespmem:s25+$0x0];
	v2 =	vnsel vm7, $0x0, v2;
	v15 =	vpop (erf)  }
0x96: {  	v16 =	vld [tilespmem:s3+$0x0];
	[tilespmem:s22+$0x30] =	vst v2;
	v5 =	vpop (erf)  }
0x97: {  	v17 =	vld [tilespmem:s25+$0x10];
	v3 =	vpop (erf)  }
0x98: {  	v18 =	vld [tilespmem:s3+$0x10]  }
0x99: {  	v19 =	vld [tilespmem:s25+$0x20]  }
0x9a: {  	v20 =	vld [tilespmem:s3+$0x20];
	v4 =	vpop (erf)  }
0x9b: {  	v21 =	vld [tilespmem:s25+$0xFFFFFFC0];
	v2 =	vpop (erf)  }
0x9c: {  	v22 =	vld.idx.msk [tilespmem:v7+s5+$0x0], $0xffff  }
0x9d: {  	v7 =	vld.idx.msk [tilespmem:v9+s5+$0x0], $0xffff  }
0x9e: {  	v9 =	vld.idx.msk [tilespmem:v10+s5+$0x0], $0xffff  }
0x9f: {  	v10 =	vld.idx.msk [tilespmem:v11+s5+$0x0], $0xffff  }
0xa0: {  	v11 =	vld.idx.msk [tilespmem:v6+s5+$0x0], $0xffff  }
0xa1: {  	v23 =	vld.idx.msk [tilespmem:v12+s5+$0x0], $0xffff  }
0xa2: {  	v13 =	vld.idx.msk [tilespmem:v13+s5+$0x0], $0xffff  }
0xa3: {  	v21 =	vld.idx.msk [tilespmem:v21+s5+$0x0], $0xffff  }
0xa4: {  	v7 =	vmul.f32 v9, v7;
	v6 =	vld.idx.msk [tilespmem:v8+s5+$0x0], $0xffff  }
.Ltmp6:
0xa5: {  	v8 =	vld.idx.msk [tilespmem:v16+s5+$0x0], $0xffff;
	(pc) =	sbr.rel @p1 .LBB2_6-.Ltmp6, $4  }
0xa6: {  	v12 =	vmul.f32 v14, v7;
	v10 =	vmul.f32 v11, v10;
	v7 =	vld.idx.msk [tilespmem:v17+s5+$0x0], $0xffff  }
0xa7: {  	v9 =	vld.idx.msk [tilespmem:v18+s5+$0x0], $0xffff  }
0xa8: {  	v11 =	vnsel vm6, $0x0, v12;
	v12 =	vmul.f32 v15, v10;
	v14 =	vmul.f32 v13, v23;
	v10 =	vld.idx.msk [tilespmem:v19+s5+$0x0], $0xffff  }
0xa9: {  	s25 =	sadd.s32 $0x80, s25;
	v13 =	vmul.f32 v22, v21;
	[tilespmem:s22+$0xFFFFFFD0] =	vst v11;
	v11 =	vld.idx.msk [tilespmem:v20+s5+$0x0], $0xffff  }
0xaa: {  	_ =	sdelay $0x1  }
0xab: {  	v5 =	vmul.f32 v5, v14;
	v6 =	vmul.f32 v8, v6  }
0xac: {  	v62 =	vnsel vm5, $0x0, v12;
	v1 =	vmul.f32 v1, v13;
	v7 =	vmul.f32 v9, v7  }
0xad: {  	[tilespmem:s22+$0xFFFFFFE0] =	vst v62;
	v5 =	vnsel vm4, $0x0, v5;
	v3 =	vmul.f32 v3, v6;
	v63 =	vmul.f32 v11, v10  }
0xae: {  	v1 =	vnsel vm0, $0x0, v1;
	[tilespmem:s22+$0xFFFFFFF0] =	vst v5;
	v4 =	vmul.f32 v4, v7  }
.Ltmp7:
0xaf: {  	[tilespmem:s22+$0xFFFFFFC0] =	vst v1;
	v1 =	vnsel vm1, $0x0, v3;
	v2 =	vmul.f32 v2, v63;
	(pc) =	sbr.rel .LBB2_8-.Ltmp7, $4  }
0xb0: {  	[tilespmem:s22+$0x0] =	vst v1;
	v1 =	vnsel vm2, $0x0, v4  }
0xb1: {  	[tilespmem:s22+$0x10] =	vst v1;
	v1 =	vnsel vm3, $0x0, v2  }
0xb2: {  	s3 =	sadd.s32 $0x1B700, s23;
	s21 =	sadd.s32 $0x18700, s23;
	[tilespmem:s22+$0x20] =	vst v1  }
0xb3: {  	[spmem:s4] =	stream.indirect.scatter.add.f32 [tilespmem:s3], [sflag:$0x2], $0x1, s21, s28, $0xb8;
	[tilespmem:$0x1F800] =	vst v63  }
.LBB2_10:
0xb4: {  	_ =	sfence.sel $0x180000  }
0xb5: {  	[bflag:$0x0] =	sbarrier.arrive $0xFFFF  }
0xb6: {  	_ =	strace $0x90000047  }
0xb7: {  	s0 =	stileid.u32;
	[bflag:$0x2] =	sbarrier.arrive $0xFFFF  }
0xb8: {  	p0 =	sne.s32 s0, $0x0;
	s0 =	rddreg [dreg:$0x4]  }
0xb9: {  	s0 =	sadd.s32 @!p0 $0x100000, s0  }
0xba: {  	[sflag:s0] =	ssyncadd.tile.s32 @!p0 $0x1;
	_ =	shalt  }
.Lfunc_end2:
_tile_overlayer_lowered:
.L_overlay_start_2:
0xbb: {  	(tag) =	ssettag $0x2  }
0xbc: {  	s0 =	rddreg [dreg:$0x0];
	s2 =	stileid.u32  }
0xbd: {  	s1 =	rddreg [dreg:$0x1];
	p0 =	sne.s32 s2, $0x0  }
0xbe: {  	s3 =	rddreg [dreg:$0x2];
	[bflag:$0x3] =	sbarrier.arrive $0xFFFF;
	s2 =	simm.s32 @!p0 $0x1C03  }
0xbf: {  	[timem:s3], [sflag:s2] =	dma.local @!p0 [hbm:s0], s1  }
0xc0: {  	s0 =	simm.s32 @!p0 $0x3  }
0xc1: {  	_ =	swait.ge @!p0 [sflag:s0], s1  }
0xc2: {  	s1 =	ssub.s32 @!p0 $0x0, s1;
	[sflag:s0] =	ssyncset.done @!p0 $0x0  }
0xc3: {  	[sflag:s0] =	ssyncadd.s32 @!p0 s1  }
0xc4: {  	[bflag:$0x3] =	sbarrier.arrive $0xFFFF  }
0xc5: {  	_ =	shalt  }

</sc_bundles>
